<compile_context>
chip_gen: v7x
topology: tpu7x:2x2x1
jax: 0.10.2.dev20260603
libtpu: 0.0.44.dev20260713+nightly
codegen_flags: <defaults>
</compile_context>

<pallas_src>
import functools

import jax
import jax.numpy as jnp
from jax import lax
from jax.experimental import pallas as pl
from jax.experimental.pallas import tpu as pltpu
from jax.experimental.pallas import tpu_sc as plsc

B = 16384
V = 100000
D_GMF = 32
D_MLP = 64
NC = 2
NS = 16
NW = NC * NS
ROWS_PER_W = B // NW
CHUNK = 128
CHUNKS_PER_W = ROWS_PER_W // CHUNK
VBLK = 8192
L = 16


def _compact_body(emb_ref, mlp_ref, out_ref):
    mlp = jnp.transpose(mlp_ref[...])
    emb = jnp.transpose(emb_ref[...])
    pad = jnp.zeros((emb.shape[0], 128 - D_MLP - D_GMF), jnp.float32)
    out_ref[...] = jnp.concatenate([mlp, emb, pad], axis=-1)


def _tc_compact(emb_t, mlp_t):
    grid = (pl.cdiv(V, VBLK),)
    return pl.pallas_call(
        _compact_body,
        grid=grid,
        in_specs=[
            pl.BlockSpec((D_GMF, VBLK), lambda i: (0, i)),
            pl.BlockSpec((D_MLP, VBLK), lambda i: (0, i)),
        ],
        out_specs=pl.BlockSpec((VBLK, 128), lambda i: (i, 0)),
        out_shape=jax.ShapeDtypeStruct((V, 128), jnp.float32),
    )(emb_t, mlp_t)


def _gather_side_body(ids_hbm, tbl_hbm, out, idx, g0, g1, sem):
    wid = lax.axis_index("s") * NC + lax.axis_index("c")
    base = wid * ROWS_PER_W
    pltpu.sync_copy(ids_hbm.at[pl.ds(wid * CHUNKS_PER_W, CHUNKS_PER_W)], idx)
    bufs = (g0, g1)
    copies = [None, None]
    for j in range(CHUNKS_PER_W):
        copies[j % 2] = pltpu.async_copy(
            tbl_hbm.at[idx.at[j]], bufs[j % 2], sem)
        if j >= 1:
            copies[(j - 1) % 2].wait()
            out_sl = pl.ds(base + (j - 1) * CHUNK, CHUNK)
            pltpu.sync_copy(bufs[(j - 1) % 2], out.at[out_sl])
    copies[(CHUNKS_PER_W - 1) % 2].wait()
    out_sl = pl.ds(base + (CHUNKS_PER_W - 1) * CHUNK, CHUNK)
    pltpu.sync_copy(bufs[(CHUNKS_PER_W - 1) % 2], out.at[out_sl])


def _sc_gather_side(ids2d, tbl_c):
    mesh = plsc.VectorSubcoreMesh(core_axis_name="c", subcore_axis_name="s")
    f = functools.partial(
        pl.kernel,
        mesh=mesh,
        out_type=jax.ShapeDtypeStruct((B, 128), jnp.float32),
        scratch_types=[
            pltpu.VMEM((CHUNKS_PER_W, CHUNK), jnp.int32),
            pltpu.VMEM((CHUNK, 128), jnp.float32),
            pltpu.VMEM((CHUNK, 128), jnp.float32),
            pltpu.SemaphoreType.DMA,
        ],
        compiler_params=pltpu.CompilerParams(
            use_tc_tiling_on_sc=True, needs_layout_passes=False),
    )(_gather_side_body)
    return f(ids2d, tbl_c)


BLK = 4096


def _dense_body(u_ref, i_ref, W1_ref, b1_ref, W2_ref, b2_ref,
                Wo_ref, bo_ref, out_ref):
    u = u_ref[...]
    i = i_ref[...]
    gmf = (u[:, D_MLP:D_MLP + D_GMF] * i[:, D_MLP:D_MLP + D_GMF])
    x = jnp.dot(u[:, 0:D_MLP], W1_ref[0:D_MLP, :],
                preferred_element_type=jnp.float32)
    x = x + jnp.dot(i[:, 0:D_MLP], W1_ref[D_MLP:2 * D_MLP, :],
                    preferred_element_type=jnp.float32)
    x = jax.nn.relu(x + b1_ref[...])
    x = jnp.dot(x, W2_ref[...], preferred_element_type=jnp.float32)
    x = jax.nn.relu(x + b2_ref[...])
    wg = Wo_ref[0:D_GMF, 0]
    wm = Wo_ref[D_GMF:2 * D_GMF, 0]
    logit = (jnp.sum(gmf * wg[None, :], axis=-1)
             + jnp.sum(x * wm[None, :], axis=-1)
             + bo_ref[...])
    out_ref[...] = jax.nn.sigmoid(logit)


def _tc_dense(u_pack, i_pack, W1, b1, W2, b2, Wo, bo):
    grid = (B // BLK,)
    blk = pl.BlockSpec((BLK, 128), lambda i: (i, 0))
    full = lambda s: pl.BlockSpec(s, lambda i: tuple(0 for _ in s))
    return pl.pallas_call(
        _dense_body,
        grid=grid,
        in_specs=[
            blk, blk,
            full(W1.shape), full(b1.shape), full(W2.shape), full(b2.shape),
            full(Wo.shape), full(bo.shape),
        ],
        out_specs=pl.BlockSpec((BLK,), lambda i: (i,)),
        out_shape=jax.ShapeDtypeStruct((B,), jnp.float32),
    )(u_pack, i_pack, W1, b1, W2, b2, Wo, bo)


def kernel(user_emb, item_emb, user_emb_mlp, item_emb_mlp,
           W1, b1, W2, b2, Wo, bo, user_ids, movie_ids):
    uid2d = user_ids.astype(jnp.int32).reshape(B // CHUNK, CHUNK)
    mid2d = movie_ids.astype(jnp.int32).reshape(B // CHUNK, CHUNK)
    u_tbl = _tc_compact(user_emb.T, user_emb_mlp.T)
    u_pack = _sc_gather_side(uid2d, u_tbl)
    i_tbl = _tc_compact(item_emb.T, item_emb_mlp.T)
    i_pack = _sc_gather_side(mid2d, i_tbl)
    return _tc_dense(u_pack, i_pack, W1, b1, W2, b2, Wo, bo)

# --- scband reference (transcript-rebuilt; emitter-appended) ---
"""Pipeline reference for scband-ncf-56805237457604 (READ-ONLY COPY).

The authoritative reference and input builder live on the scoring server;
editing this copy changes nothing except your own understanding.
"""

import jax, jax.numpy as jnp
import numpy as np

NUM_USERS = 100000
NUM_MOVIES = 100000
EMBED_DIM = 32
NUM_MLP_LAYERS = 2
BATCH = 16384
MLP_EMB = EMBED_DIM * 2 ** (NUM_MLP_LAYERS - 1)  # 64


def setup_inputs(seed: int = 0) -> dict:
    key = jax.random.key(seed)
    ks = jax.random.split(key, 12)
    user_ids = jax.random.randint(ks[0], (BATCH,), 0, NUM_USERS, dtype=jnp.int64 if jax.config.jax_enable_x64 else jnp.int32)
    movie_ids = jax.random.randint(ks[1], (BATCH,), 0, NUM_MOVIES, dtype=jnp.int64 if jax.config.jax_enable_x64 else jnp.int32)
    user_emb = jax.random.normal(ks[2], (NUM_USERS, EMBED_DIM), dtype=jnp.float32)
    item_emb = jax.random.normal(ks[3], (NUM_MOVIES, EMBED_DIM), dtype=jnp.float32)
    user_emb_mlp = jax.random.normal(ks[4], (NUM_USERS, MLP_EMB), dtype=jnp.float32)
    item_emb_mlp = jax.random.normal(ks[5], (NUM_MOVIES, MLP_EMB), dtype=jnp.float32)
    # MLP layer 0: in = EMBED_DIM * 2**NUM_MLP_LAYERS = 128 -> 64
    in0 = EMBED_DIM * 2 ** NUM_MLP_LAYERS
    W1 = jax.random.normal(ks[6], (in0, in0 // 2), dtype=jnp.float32) * 0.05
    b1 = jnp.zeros((in0 // 2,), dtype=jnp.float32)
    # MLP layer 1: 64 -> 32
    in1 = in0 // 2
    W2 = jax.random.normal(ks[7], (in1, in1 // 2), dtype=jnp.float32) * 0.05
    b2 = jnp.zeros((in1 // 2,), dtype=jnp.float32)
    # NeuMF: GMF(32) + MLP(32) = 64 -> 1
    Wo = jax.random.normal(ks[8], (EMBED_DIM * 2, 1), dtype=jnp.float32) * 0.05
    bo = jnp.zeros((1,), dtype=jnp.float32)
    return {
        "user_emb": user_emb, "item_emb": item_emb,
        "user_emb_mlp": user_emb_mlp, "item_emb_mlp": item_emb_mlp,
        "W1": W1, "b1": b1, "W2": W2, "b2": b2, "Wo": Wo, "bo": bo,
        "user_ids": user_ids, "movie_ids": movie_ids,
    }


def reference(user_emb, item_emb, user_emb_mlp, item_emb_mlp, W1, b1, W2, b2, Wo, bo, user_ids, movie_ids):
    # embedding lookups (gather)
    user_embeds = jnp.take(user_emb, user_ids, axis=0)
    item_embeds = jnp.take(item_emb, movie_ids, axis=0)
    user_embeds_mlp = jnp.take(user_emb_mlp, user_ids, axis=0)
    item_embeds_mlp = jnp.take(item_emb_mlp, movie_ids, axis=0)
    # GMF branch
    gmf_out = user_embeds * item_embeds
    # MLP branch (dropout is identity at inference)
    x = jnp.concatenate([user_embeds_mlp, item_embeds_mlp], axis=-1)
    x = jax.nn.relu(x @ W1 + b1)
    x = jax.nn.relu(x @ W2 + b2)
    mlp_out = x
    # NeuMF head
    neumf_in = jnp.concatenate([gmf_out, mlp_out], axis=-1)
    out = jax.nn.sigmoid(neumf_in @ Wo + bo)
    return out.reshape(-1)

if __name__ == "__main__":
    import jax
    _d = setup_inputs()
    print(jax.jit(kernel)(*tuple(_d.values())))

</pallas_src>

<mosaic_0001>
#map = affine_map<(d0, d1) -> (0, 0)>
module attributes {stable_mosaic.version = 14 : i64} {
  func.func @_gather_side_body(%arg0: i32, %arg1: i32, %arg2: memref<128x128xi32, #tpu.memory_space<hbm>>, %arg3: memref<100000x128xf32, #tpu.memory_space<hbm>>, %arg4: memref<16384x128xf32, #tpu.memory_space<hbm>>, %arg5: memref<4x128xi32, #tpu.memory_space<vmem>>, %arg6: memref<128x128xf32, #tpu.memory_space<vmem>>, %arg7: memref<128x128xf32, #tpu.memory_space<vmem>>, %arg8: memref<!tpu.dma_semaphore, #tpu.memory_space<semaphore_mem>>) attributes {dimension_semantics = [#tpu.dimension_semantics<core_parallel>, #tpu.dimension_semantics<subcore_parallel>], iteration_bounds = array<i64: 2, 16>, scalar_prefetch = 0 : i64, scratch_operands = 4 : i64, tpu.core_type = #tpu.core_type<sc_vector_subcore>, window_params = [{transform_indices = #map}, {transform_indices = #map}, {transform_indices = #map}]} {
    %mul3A = arith.constant 2 : i32
    %mul3A_0 = arith.muli %arg1, %mul3A : i32
    %add3A = arith.addi %mul3A_0, %arg0 : i32
    %mul3A_1 = arith.constant 512 : i32
    %mul3A_2 = arith.muli %add3A, %mul3A_1 : i32
    %mul3A_3 = arith.constant 4 : i32
    %mul3A_4 = arith.muli %add3A, %mul3A_3 : i32
    "tpu.region"() ({
      %run_scoped3A = tpu.sem_alloc : memref<!tpu.dma_semaphore, #tpu.memory_space<semaphore_mem>>
      %dma_start3A_67 = arith.constant 0 : i32
      %dma_start3A_68 = tpu.memref_slice %arg2[%mul3A_4, %dma_start3A_67] : memref<128x128xi32, #tpu.memory_space<hbm>> -> memref<4x128xi32, #tpu.memory_space<hbm>>
      %dma_start3A_69 = arith.constant 0 : i32
      %dma_start3A_70 = tpu.memref_slice %arg2[%mul3A_4, %dma_start3A_69] : memref<128x128xi32, #tpu.memory_space<hbm>> -> memref<4x128xi32, #tpu.memory_space<hbm>>
      tpu.enqueue_dma source(%dma_start3A_70 : memref<4x128xi32, #tpu.memory_space<hbm>>) target(%arg5 : memref<4x128xi32, #tpu.memory_space<vmem>>) target_semaphore(%run_scoped3A : memref<!tpu.dma_semaphore, #tpu.memory_space<semaphore_mem>>)
      %dma_wait3A_71 = arith.constant 0 : i32
      %dma_wait3A_72 = tpu.memref_slice %arg2[%mul3A_4, %dma_wait3A_71] : memref<128x128xi32, #tpu.memory_space<hbm>> -> memref<4x128xi32, #tpu.memory_space<hbm>>
      %dma_wait3A_73 = arith.constant 0 : i32
      %dma_wait3A_74 = tpu.memref_slice %arg2[%mul3A_4, %dma_wait3A_73] : memref<128x128xi32, #tpu.memory_space<hbm>> -> memref<4x128xi32, #tpu.memory_space<hbm>>
      tpu.wait_dma2 semaphore(%run_scoped3A : memref<!tpu.dma_semaphore, #tpu.memory_space<semaphore_mem>>) src(%dma_wait3A_74 : memref<4x128xi32, #tpu.memory_space<hbm>>) dst(%arg5 : memref<4x128xi32, #tpu.memory_space<vmem>>)
      tpu.yield
    }) : () -> ()
    %dma_start3A = arith.constant 0 : i32
    %dma_start3A_5 = arith.constant 0 : i32
    %dma_start3A_6 = tpu.memref_slice %arg5[%dma_start3A, %dma_start3A_5] : memref<4x128xi32, #tpu.memory_space<vmem>> -> memref<1x128xi32, #tpu.memory_space<vmem>>
    %dma_start3A_7 = tpu.memref_squeeze %dma_start3A_6 : memref<1x128xi32, #tpu.memory_space<vmem>> -> memref<128xi32, #tpu.memory_space<vmem>>
    %dma_start3A_8 = arith.constant 0 : i32
    %dma_start3A_9 = arith.constant 0 : i32
    %dma_start3A_10 = tpu.memref_slice %arg3[%dma_start3A_8, %dma_start3A_9] : memref<100000x128xf32, #tpu.memory_space<hbm>> -> memref<100000x128xf32, #tpu.memory_space<hbm>>
    tpu.enqueue_indirect_dma source(%dma_start3A_10 : memref<100000x128xf32, #tpu.memory_space<hbm>>) target(%arg6 : memref<128x128xf32, #tpu.memory_space<vmem>>) offsets(%dma_start3A_7 : memref<128xi32, #tpu.memory_space<vmem>>) semaphore(%arg8 : memref<!tpu.dma_semaphore, #tpu.memory_space<semaphore_mem>>)
    %dma_start3A_11 = arith.constant 1 : i32
    %dma_start3A_12 = arith.constant 0 : i32
    %dma_start3A_13 = tpu.memref_slice %arg5[%dma_start3A_11, %dma_start3A_12] : memref<4x128xi32, #tpu.memory_space<vmem>> -> memref<1x128xi32, #tpu.memory_space<vmem>>
    %dma_start3A_14 = tpu.memref_squeeze %dma_start3A_13 : memref<1x128xi32, #tpu.memory_space<vmem>> -> memref<128xi32, #tpu.memory_space<vmem>>
    %dma_start3A_15 = arith.constant 0 : i32
    %dma_start3A_16 = arith.constant 0 : i32
    %dma_start3A_17 = tpu.memref_slice %arg3[%dma_start3A_15, %dma_start3A_16] : memref<100000x128xf32, #tpu.memory_space<hbm>> -> memref<100000x128xf32, #tpu.memory_space<hbm>>
    tpu.enqueue_indirect_dma source(%dma_start3A_17 : memref<100000x128xf32, #tpu.memory_space<hbm>>) target(%arg7 : memref<128x128xf32, #tpu.memory_space<vmem>>) offsets(%dma_start3A_14 : memref<128xi32, #tpu.memory_space<vmem>>) semaphore(%arg8 : memref<!tpu.dma_semaphore, #tpu.memory_space<semaphore_mem>>)
    %dma_wait3A = arith.constant 0 : i32
    %dma_wait3A_18 = arith.constant 0 : i32
    %dma_wait3A_19 = tpu.memref_slice %arg5[%dma_wait3A, %dma_wait3A_18] : memref<4x128xi32, #tpu.memory_space<vmem>> -> memref<1x128xi32, #tpu.memory_space<vmem>>
    %dma_wait3A_20 = tpu.memref_squeeze %dma_wait3A_19 : memref<1x128xi32, #tpu.memory_space<vmem>> -> memref<128xi32, #tpu.memory_space<vmem>>
    %dma_wait3A_21 = arith.constant 0 : i32
    %dma_wait3A_22 = arith.constant 0 : i32
    %dma_wait3A_23 = tpu.memref_slice %arg3[%dma_wait3A_21, %dma_wait3A_22] : memref<100000x128xf32, #tpu.memory_space<hbm>> -> memref<100000x128xf32, #tpu.memory_space<hbm>>
    tpu.wait_indirect_dma semaphore(%arg8 : memref<!tpu.dma_semaphore, #tpu.memory_space<semaphore_mem>>) src(%dma_wait3A_23 : memref<100000x128xf32, #tpu.memory_space<hbm>>) dst(%arg6 : memref<128x128xf32, #tpu.memory_space<vmem>>)
    %add3A_24 = arith.constant 0 : i32
    %add3A_25 = arith.addi %mul3A_2, %add3A_24 : i32
    "tpu.region"() ({
      %run_scoped3A = tpu.sem_alloc : memref<!tpu.dma_semaphore, #tpu.memory_space<semaphore_mem>>
      %dma_start3A_67 = arith.constant 0 : i32
      %dma_start3A_68 = tpu.memref_slice %arg4[%add3A_25, %dma_start3A_67] : memref<16384x128xf32, #tpu.memory_space<hbm>> -> memref<128x128xf32, #tpu.memory_space<hbm>>
      %dma_start3A_69 = arith.constant 0 : i32
      %dma_start3A_70 = tpu.memref_slice %arg4[%add3A_25, %dma_start3A_69] : memref<16384x128xf32, #tpu.memory_space<hbm>> -> memref<128x128xf32, #tpu.memory_space<hbm>>
      tpu.enqueue_dma source(%arg6 : memref<128x128xf32, #tpu.memory_space<vmem>>) target(%dma_start3A_70 : memref<128x128xf32, #tpu.memory_space<hbm>>) target_semaphore(%run_scoped3A : memref<!tpu.dma_semaphore, #tpu.memory_space<semaphore_mem>>)
      %dma_wait3A_71 = arith.constant 0 : i32
      %dma_wait3A_72 = tpu.memref_slice %arg4[%add3A_25, %dma_wait3A_71] : memref<16384x128xf32, #tpu.memory_space<hbm>> -> memref<128x128xf32, #tpu.memory_space<hbm>>
      %dma_wait3A_73 = arith.constant 0 : i32
      %dma_wait3A_74 = tpu.memref_slice %arg4[%add3A_25, %dma_wait3A_73] : memref<16384x128xf32, #tpu.memory_space<hbm>> -> memref<128x128xf32, #tpu.memory_space<hbm>>
      tpu.wait_dma2 semaphore(%run_scoped3A : memref<!tpu.dma_semaphore, #tpu.memory_space<semaphore_mem>>) src(%arg6 : memref<128x128xf32, #tpu.memory_space<vmem>>) dst(%dma_wait3A_74 : memref<128x128xf32, #tpu.memory_space<hbm>>)
      tpu.yield
    }) : () -> ()
    %dma_start3A_26 = arith.constant 2 : i32
    %dma_start3A_27 = arith.constant 0 : i32
    %dma_start3A_28 = tpu.memref_slice %arg5[%dma_start3A_26, %dma_start3A_27] : memref<4x128xi32, #tpu.memory_space<vmem>> -> memref<1x128xi32, #tpu.memory_space<vmem>>
    %dma_start3A_29 = tpu.memref_squeeze %dma_start3A_28 : memref<1x128xi32, #tpu.memory_space<vmem>> -> memref<128xi32, #tpu.memory_space<vmem>>
    %dma_start3A_30 = arith.constant 0 : i32
    %dma_start3A_31 = arith.constant 0 : i32
    %dma_start3A_32 = tpu.memref_slice %arg3[%dma_start3A_30, %dma_start3A_31] : memref<100000x128xf32, #tpu.memory_space<hbm>> -> memref<100000x128xf32, #tpu.memory_space<hbm>>
    tpu.enqueue_indirect_dma source(%dma_start3A_32 : memref<100000x128xf32, #tpu.memory_space<hbm>>) target(%arg6 : memref<128x128xf32, #tpu.memory_space<vmem>>) offsets(%dma_start3A_29 : memref<128xi32, #tpu.memory_space<vmem>>) semaphore(%arg8 : memref<!tpu.dma_semaphore, #tpu.memory_space<semaphore_mem>>)
    %dma_wait3A_33 = arith.constant 1 : i32
    %dma_wait3A_34 = arith.constant 0 : i32
    %dma_wait3A_35 = tpu.memref_slice %arg5[%dma_wait3A_33, %dma_wait3A_34] : memref<4x128xi32, #tpu.memory_space<vmem>> -> memref<1x128xi32, #tpu.memory_space<vmem>>
    %dma_wait3A_36 = tpu.memref_squeeze %dma_wait3A_35 : memref<1x128xi32, #tpu.memory_space<vmem>> -> memref<128xi32, #tpu.memory_space<vmem>>
    %dma_wait3A_37 = arith.constant 0 : i32
    %dma_wait3A_38 = arith.constant 0 : i32
    %dma_wait3A_39 = tpu.memref_slice %arg3[%dma_wait3A_37, %dma_wait3A_38] : memref<100000x128xf32, #tpu.memory_space<hbm>> -> memref<100000x128xf32, #tpu.memory_space<hbm>>
    tpu.wait_indirect_dma semaphore(%arg8 : memref<!tpu.dma_semaphore, #tpu.memory_space<semaphore_mem>>) src(%dma_wait3A_39 : memref<100000x128xf32, #tpu.memory_space<hbm>>) dst(%arg7 : memref<128x128xf32, #tpu.memory_space<vmem>>)
    %add3A_40 = arith.constant 128 : i32
    %add3A_41 = arith.addi %mul3A_2, %add3A_40 : i32
    "tpu.region"() ({
      %run_scoped3A = tpu.sem_alloc : memref<!tpu.dma_semaphore, #tpu.memory_space<semaphore_mem>>
      %dma_start3A_67 = arith.constant 0 : i32
      %dma_start3A_68 = tpu.memref_slice %arg4[%add3A_41, %dma_start3A_67] : memref<16384x128xf32, #tpu.memory_space<hbm>> -> memref<128x128xf32, #tpu.memory_space<hbm>>
      %dma_start3A_69 = arith.constant 0 : i32
      %dma_start3A_70 = tpu.memref_slice %arg4[%add3A_41, %dma_start3A_69] : memref<16384x128xf32, #tpu.memory_space<hbm>> -> memref<128x128xf32, #tpu.memory_space<hbm>>
      tpu.enqueue_dma source(%arg7 : memref<128x128xf32, #tpu.memory_space<vmem>>) target(%dma_start3A_70 : memref<128x128xf32, #tpu.memory_space<hbm>>) target_semaphore(%run_scoped3A : memref<!tpu.dma_semaphore, #tpu.memory_space<semaphore_mem>>)
      %dma_wait3A_71 = arith.constant 0 : i32
      %dma_wait3A_72 = tpu.memref_slice %arg4[%add3A_41, %dma_wait3A_71] : memref<16384x128xf32, #tpu.memory_space<hbm>> -> memref<128x128xf32, #tpu.memory_space<hbm>>
      %dma_wait3A_73 = arith.constant 0 : i32
      %dma_wait3A_74 = tpu.memref_slice %arg4[%add3A_41, %dma_wait3A_73] : memref<16384x128xf32, #tpu.memory_space<hbm>> -> memref<128x128xf32, #tpu.memory_space<hbm>>
      tpu.wait_dma2 semaphore(%run_scoped3A : memref<!tpu.dma_semaphore, #tpu.memory_space<semaphore_mem>>) src(%arg7 : memref<128x128xf32, #tpu.memory_space<vmem>>) dst(%dma_wait3A_74 : memref<128x128xf32, #tpu.memory_space<hbm>>)
      tpu.yield
    }) : () -> ()
    %dma_start3A_42 = arith.constant 3 : i32
    %dma_start3A_43 = arith.constant 0 : i32
    %dma_start3A_44 = tpu.memref_slice %arg5[%dma_start3A_42, %dma_start3A_43] : memref<4x128xi32, #tpu.memory_space<vmem>> -> memref<1x128xi32, #tpu.memory_space<vmem>>
    %dma_start3A_45 = tpu.memref_squeeze %dma_start3A_44 : memref<1x128xi32, #tpu.memory_space<vmem>> -> memref<128xi32, #tpu.memory_space<vmem>>
    %dma_start3A_46 = arith.constant 0 : i32
    %dma_start3A_47 = arith.constant 0 : i32
    %dma_start3A_48 = tpu.memref_slice %arg3[%dma_start3A_46, %dma_start3A_47] : memref<100000x128xf32, #tpu.memory_space<hbm>> -> memref<100000x128xf32, #tpu.memory_space<hbm>>
    tpu.enqueue_indirect_dma source(%dma_start3A_48 : memref<100000x128xf32, #tpu.memory_space<hbm>>) target(%arg7 : memref<128x128xf32, #tpu.memory_space<vmem>>) offsets(%dma_start3A_45 : memref<128xi32, #tpu.memory_space<vmem>>) semaphore(%arg8 : memref<!tpu.dma_semaphore, #tpu.memory_space<semaphore_mem>>)
    %dma_wait3A_49 = arith.constant 2 : i32
    %dma_wait3A_50 = arith.constant 0 : i32
    %dma_wait3A_51 = tpu.memref_slice %arg5[%dma_wait3A_49, %dma_wait3A_50] : memref<4x128xi32, #tpu.memory_space<vmem>> -> memref<1x128xi32, #tpu.memory_space<vmem>>
    %dma_wait3A_52 = tpu.memref_squeeze %dma_wait3A_51 : memref<1x128xi32, #tpu.memory_space<vmem>> -> memref<128xi32, #tpu.memory_space<vmem>>
    %dma_wait3A_53 = arith.constant 0 : i32
    %dma_wait3A_54 = arith.constant 0 : i32
    %dma_wait3A_55 = tpu.memref_slice %arg3[%dma_wait3A_53, %dma_wait3A_54] : memref<100000x128xf32, #tpu.memory_space<hbm>> -> memref<100000x128xf32, #tpu.memory_space<hbm>>
    tpu.wait_indirect_dma semaphore(%arg8 : memref<!tpu.dma_semaphore, #tpu.memory_space<semaphore_mem>>) src(%dma_wait3A_55 : memref<100000x128xf32, #tpu.memory_space<hbm>>) dst(%arg6 : memref<128x128xf32, #tpu.memory_space<vmem>>)
    %add3A_56 = arith.constant 256 : i32
    %add3A_57 = arith.addi %mul3A_2, %add3A_56 : i32
    "tpu.region"() ({
      %run_scoped3A = tpu.sem_alloc : memref<!tpu.dma_semaphore, #tpu.memory_space<semaphore_mem>>
      %dma_start3A_67 = arith.constant 0 : i32
      %dma_start3A_68 = tpu.memref_slice %arg4[%add3A_57, %dma_start3A_67] : memref<16384x128xf32, #tpu.memory_space<hbm>> -> memref<128x128xf32, #tpu.memory_space<hbm>>
      %dma_start3A_69 = arith.constant 0 : i32
      %dma_start3A_70 = tpu.memref_slice %arg4[%add3A_57, %dma_start3A_69] : memref<16384x128xf32, #tpu.memory_space<hbm>> -> memref<128x128xf32, #tpu.memory_space<hbm>>
      tpu.enqueue_dma source(%arg6 : memref<128x128xf32, #tpu.memory_space<vmem>>) target(%dma_start3A_70 : memref<128x128xf32, #tpu.memory_space<hbm>>) target_semaphore(%run_scoped3A : memref<!tpu.dma_semaphore, #tpu.memory_space<semaphore_mem>>)
      %dma_wait3A_71 = arith.constant 0 : i32
      %dma_wait3A_72 = tpu.memref_slice %arg4[%add3A_57, %dma_wait3A_71] : memref<16384x128xf32, #tpu.memory_space<hbm>> -> memref<128x128xf32, #tpu.memory_space<hbm>>
      %dma_wait3A_73 = arith.constant 0 : i32
      %dma_wait3A_74 = tpu.memref_slice %arg4[%add3A_57, %dma_wait3A_73] : memref<16384x128xf32, #tpu.memory_space<hbm>> -> memref<128x128xf32, #tpu.memory_space<hbm>>
      tpu.wait_dma2 semaphore(%run_scoped3A : memref<!tpu.dma_semaphore, #tpu.memory_space<semaphore_mem>>) src(%arg6 : memref<128x128xf32, #tpu.memory_space<vmem>>) dst(%dma_wait3A_74 : memref<128x128xf32, #tpu.memory_space<hbm>>)
      tpu.yield
    }) : () -> ()
    %dma_wait3A_58 = arith.constant 3 : i32
    %dma_wait3A_59 = arith.constant 0 : i32
    %dma_wait3A_60 = tpu.memref_slice %arg5[%dma_wait3A_58, %dma_wait3A_59] : memref<4x128xi32, #tpu.memory_space<vmem>> -> memref<1x128xi32, #tpu.memory_space<vmem>>
    %dma_wait3A_61 = tpu.memref_squeeze %dma_wait3A_60 : memref<1x128xi32, #tpu.memory_space<vmem>> -> memref<128xi32, #tpu.memory_space<vmem>>
    %dma_wait3A_62 = arith.constant 0 : i32
    %dma_wait3A_63 = arith.constant 0 : i32
    %dma_wait3A_64 = tpu.memref_slice %arg3[%dma_wait3A_62, %dma_wait3A_63] : memref<100000x128xf32, #tpu.memory_space<hbm>> -> memref<100000x128xf32, #tpu.memory_space<hbm>>
    tpu.wait_indirect_dma semaphore(%arg8 : memref<!tpu.dma_semaphore, #tpu.memory_space<semaphore_mem>>) src(%dma_wait3A_64 : memref<100000x128xf32, #tpu.memory_space<hbm>>) dst(%arg7 : memref<128x128xf32, #tpu.memory_space<vmem>>)
    %add3A_65 = arith.constant 384 : i32
    %add3A_66 = arith.addi %mul3A_2, %add3A_65 : i32
    "tpu.region"() ({
      %run_scoped3A = tpu.sem_alloc : memref<!tpu.dma_semaphore, #tpu.memory_space<semaphore_mem>>
      %dma_start3A_67 = arith.constant 0 : i32
      %dma_start3A_68 = tpu.memref_slice %arg4[%add3A_66, %dma_start3A_67] : memref<16384x128xf32, #tpu.memory_space<hbm>> -> memref<128x128xf32, #tpu.memory_space<hbm>>
      %dma_start3A_69 = arith.constant 0 : i32
      %dma_start3A_70 = tpu.memref_slice %arg4[%add3A_66, %dma_start3A_69] : memref<16384x128xf32, #tpu.memory_space<hbm>> -> memref<128x128xf32, #tpu.memory_space<hbm>>
      tpu.enqueue_dma source(%arg7 : memref<128x128xf32, #tpu.memory_space<vmem>>) target(%dma_start3A_70 : memref<128x128xf32, #tpu.memory_space<hbm>>) target_semaphore(%run_scoped3A : memref<!tpu.dma_semaphore, #tpu.memory_space<semaphore_mem>>)
      %dma_wait3A_71 = arith.constant 0 : i32
      %dma_wait3A_72 = tpu.memref_slice %arg4[%add3A_66, %dma_wait3A_71] : memref<16384x128xf32, #tpu.memory_space<hbm>> -> memref<128x128xf32, #tpu.memory_space<hbm>>
      %dma_wait3A_73 = arith.constant 0 : i32
      %dma_wait3A_74 = tpu.memref_slice %arg4[%add3A_66, %dma_wait3A_73] : memref<16384x128xf32, #tpu.memory_space<hbm>> -> memref<128x128xf32, #tpu.memory_space<hbm>>
      tpu.wait_dma2 semaphore(%run_scoped3A : memref<!tpu.dma_semaphore, #tpu.memory_space<semaphore_mem>>) src(%arg7 : memref<128x128xf32, #tpu.memory_space<vmem>>) dst(%dma_wait3A_74 : memref<128x128xf32, #tpu.memory_space<hbm>>)
      tpu.yield
    }) : () -> ()
    return
  }
}

#map = affine_map<(d0, d1) -> (0, 0)>
module attributes {stable_mosaic.version = 14 : i64} {
  func.func @_gather_side_body(%arg0: i32, %arg1: i32, %arg2: memref<128x128xi32, #tpu.memory_space<hbm>>, %arg3: memref<100000x128xf32, #tpu.memory_space<hbm>>, %arg4: memref<16384x128xf32, #tpu.memory_space<hbm>>, %arg5: memref<4x128xi32, #tpu.memory_space<vmem>>, %arg6: memref<128x128xf32, #tpu.memory_space<vmem>>, %arg7: memref<128x128xf32, #tpu.memory_space<vmem>>, %arg8: memref<!tpu.dma_semaphore, #tpu.memory_space<semaphore_mem>>) attributes {dimension_semantics = [#tpu.dimension_semantics<core_parallel>, #tpu.dimension_semantics<subcore_parallel>], iteration_bounds = array<i64: 2, 16>, scalar_prefetch = 0 : i64, scratch_operands = 4 : i64, tpu.core_type = #tpu.core_type<sc_vector_subcore>, window_params = [{transform_indices = #map}, {transform_indices = #map}, {transform_indices = #map}]} {
    %mul3A = arith.constant 2 : i32
    %mul3A_0 = arith.muli %arg1, %mul3A : i32
    %add3A = arith.addi %mul3A_0, %arg0 : i32
    %mul3A_1 = arith.constant 512 : i32
    %mul3A_2 = arith.muli %add3A, %mul3A_1 : i32
    %mul3A_3 = arith.constant 4 : i32
    %mul3A_4 = arith.muli %add3A, %mul3A_3 : i32
    "tpu.region"() ({
      %run_scoped3A = tpu.sem_alloc : memref<!tpu.dma_semaphore, #tpu.memory_space<semaphore_mem>>
      %dma_start3A_67 = arith.constant 0 : i32
      %dma_start3A_68 = tpu.memref_slice %arg2[%mul3A_4, %dma_start3A_67] : memref<128x128xi32, #tpu.memory_space<hbm>> -> memref<4x128xi32, #tpu.memory_space<hbm>>
      %dma_start3A_69 = arith.constant 0 : i32
      %dma_start3A_70 = tpu.memref_slice %arg2[%mul3A_4, %dma_start3A_69] : memref<128x128xi32, #tpu.memory_space<hbm>> -> memref<4x128xi32, #tpu.memory_space<hbm>>
      tpu.enqueue_dma source(%dma_start3A_70 : memref<4x128xi32, #tpu.memory_space<hbm>>) target(%arg5 : memref<4x128xi32, #tpu.memory_space<vmem>>) target_semaphore(%run_scoped3A : memref<!tpu.dma_semaphore, #tpu.memory_space<semaphore_mem>>)
      %dma_wait3A_71 = arith.constant 0 : i32
      %dma_wait3A_72 = tpu.memref_slice %arg2[%mul3A_4, %dma_wait3A_71] : memref<128x128xi32, #tpu.memory_space<hbm>> -> memref<4x128xi32, #tpu.memory_space<hbm>>
      %dma_wait3A_73 = arith.constant 0 : i32
      %dma_wait3A_74 = tpu.memref_slice %arg2[%mul3A_4, %dma_wait3A_73] : memref<128x128xi32, #tpu.memory_space<hbm>> -> memref<4x128xi32, #tpu.memory_space<hbm>>
      tpu.wait_dma2 semaphore(%run_scoped3A : memref<!tpu.dma_semaphore, #tpu.memory_space<semaphore_mem>>) src(%dma_wait3A_74 : memref<4x128xi32, #tpu.memory_space<hbm>>) dst(%arg5 : memref<4x128xi32, #tpu.memory_space<vmem>>)
      tpu.yield
    }) : () -> ()
    %dma_start3A = arith.constant 0 : i32
    %dma_start3A_5 = arith.constant 0 : i32
    %dma_start3A_6 = tpu.memref_slice %arg5[%dma_start3A, %dma_start3A_5] : memref<4x128xi32, #tpu.memory_space<vmem>> -> memref<1x128xi32, #tpu.memory_space<vmem>>
    %dma_start3A_7 = tpu.memref_squeeze %dma_start3A_6 : memref<1x128xi32, #tpu.memory_space<vmem>> -> memref<128xi32, #tpu.memory_space<vmem>>
    %dma_start3A_8 = arith.constant 0 : i32
    %dma_start3A_9 = arith.constant 0 : i32
    %dma_start3A_10 = tpu.memref_slice %arg3[%dma_start3A_8, %dma_start3A_9] : memref<100000x128xf32, #tpu.memory_space<hbm>> -> memref<100000x128xf32, #tpu.memory_space<hbm>>
    tpu.enqueue_indirect_dma source(%dma_start3A_10 : memref<100000x128xf32, #tpu.memory_space<hbm>>) target(%arg6 : memref<128x128xf32, #tpu.memory_space<vmem>>) offsets(%dma_start3A_7 : memref<128xi32, #tpu.memory_space<vmem>>) semaphore(%arg8 : memref<!tpu.dma_semaphore, #tpu.memory_space<semaphore_mem>>)
    %dma_start3A_11 = arith.constant 1 : i32
    %dma_start3A_12 = arith.constant 0 : i32
    %dma_start3A_13 = tpu.memref_slice %arg5[%dma_start3A_11, %dma_start3A_12] : memref<4x128xi32, #tpu.memory_space<vmem>> -> memref<1x128xi32, #tpu.memory_space<vmem>>
    %dma_start3A_14 = tpu.memref_squeeze %dma_start3A_13 : memref<1x128xi32, #tpu.memory_space<vmem>> -> memref<128xi32, #tpu.memory_space<vmem>>
    %dma_start3A_15 = arith.constant 0 : i32
    %dma_start3A_16 = arith.constant 0 : i32
    %dma_start3A_17 = tpu.memref_slice %arg3[%dma_start3A_15, %dma_start3A_16] : memref<100000x128xf32, #tpu.memory_space<hbm>> -> memref<100000x128xf32, #tpu.memory_space<hbm>>
    tpu.enqueue_indirect_dma source(%dma_start3A_17 : memref<100000x128xf32, #tpu.memory_space<hbm>>) target(%arg7 : memref<128x128xf32, #tpu.memory_space<vmem>>) offsets(%dma_start3A_14 : memref<128xi32, #tpu.memory_space<vmem>>) semaphore(%arg8 : memref<!tpu.dma_semaphore, #tpu.memory_space<semaphore_mem>>)
    %dma_wait3A = arith.constant 0 : i32
    %dma_wait3A_18 = arith.constant 0 : i32
    %dma_wait3A_19 = tpu.memref_slice %arg5[%dma_wait3A, %dma_wait3A_18] : memref<4x128xi32, #tpu.memory_space<vmem>> -> memref<1x128xi32, #tpu.memory_space<vmem>>
    %dma_wait3A_20 = tpu.memref_squeeze %dma_wait3A_19 : memref<1x128xi32, #tpu.memory_space<vmem>> -> memref<128xi32, #tpu.memory_space<vmem>>
    %dma_wait3A_21 = arith.constant 0 : i32
    %dma_wait3A_22 = arith.constant 0 : i32
    %dma_wait3A_23 = tpu.memref_slice %arg3[%dma_wait3A_21, %dma_wait3A_22] : memref<100000x128xf32, #tpu.memory_space<hbm>> -> memref<100000x128xf32, #tpu.memory_space<hbm>>
    tpu.wait_indirect_dma semaphore(%arg8 : memref<!tpu.dma_semaphore, #tpu.memory_space<semaphore_mem>>) src(%dma_wait3A_23 : memref<100000x128xf32, #tpu.memory_space<hbm>>) dst(%arg6 : memref<128x128xf32, #tpu.memory_space<vmem>>)
    %add3A_24 = arith.constant 0 : i32
    %add3A_25 = arith.addi %mul3A_2, %add3A_24 : i32
    "tpu.region"() ({
      %run_scoped3A = tpu.sem_alloc : memref<!tpu.dma_semaphore, #tpu.memory_space<semaphore_mem>>
      %dma_start3A_67 = arith.constant 0 : i32
      %dma_start3A_68 = tpu.memref_slice %arg4[%add3A_25, %dma_start3A_67] : memref<16384x128xf32, #tpu.memory_space<hbm>> -> memref<128x128xf32, #tpu.memory_space<hbm>>
      %dma_start3A_69 = arith.constant 0 : i32
      %dma_start3A_70 = tpu.memref_slice %arg4[%add3A_25, %dma_start3A_69] : memref<16384x128xf32, #tpu.memory_space<hbm>> -> memref<128x128xf32, #tpu.memory_space<hbm>>
      tpu.enqueue_dma source(%arg6 : memref<128x128xf32, #tpu.memory_space<vmem>>) target(%dma_start3A_70 : memref<128x128xf32, #tpu.memory_space<hbm>>) target_semaphore(%run_scoped3A : memref<!tpu.dma_semaphore, #tpu.memory_space<semaphore_mem>>)
      %dma_wait3A_71 = arith.constant 0 : i32
      %dma_wait3A_72 = tpu.memref_slice %arg4[%add3A_25, %dma_wait3A_71] : memref<16384x128xf32, #tpu.memory_space<hbm>> -> memref<128x128xf32, #tpu.memory_space<hbm>>
      %dma_wait3A_73 = arith.constant 0 : i32
      %dma_wait3A_74 = tpu.memref_slice %arg4[%add3A_25, %dma_wait3A_73] : memref<16384x128xf32, #tpu.memory_space<hbm>> -> memref<128x128xf32, #tpu.memory_space<hbm>>
      tpu.wait_dma2 semaphore(%run_scoped3A : memref<!tpu.dma_semaphore, #tpu.memory_space<semaphore_mem>>) src(%arg6 : memref<128x128xf32, #tpu.memory_space<vmem>>) dst(%dma_wait3A_74 : memref<128x128xf32, #tpu.memory_space<hbm>>)
      tpu.yield
    }) : () -> ()
    %dma_start3A_26 = arith.constant 2 : i32
    %dma_start3A_27 = arith.constant 0 : i32
    %dma_start3A_28 = tpu.memref_slice %arg5[%dma_start3A_26, %dma_start3A_27] : memref<4x128xi32, #tpu.memory_space<vmem>> -> memref<1x128xi32, #tpu.memory_space<vmem>>
    %dma_start3A_29 = tpu.memref_squeeze %dma_start3A_28 : memref<1x128xi32, #tpu.memory_space<vmem>> -> memref<128xi32, #tpu.memory_space<vmem>>
    %dma_start3A_30 = arith.constant 0 : i32
    %dma_start3A_31 = arith.constant 0 : i32
    %dma_start3A_32 = tpu.memref_slice %arg3[%dma_start3A_30, %dma_start3A_31] : memref<100000x128xf32, #tpu.memory_space<hbm>> -> memref<100000x128xf32, #tpu.memory_space<hbm>>
    tpu.enqueue_indirect_dma source(%dma_start3A_32 : memref<100000x128xf32, #tpu.memory_space<hbm>>) target(%arg6 : memref<128x128xf32, #tpu.memory_space<vmem>>) offsets(%dma_start3A_29 : memref<128xi32, #tpu.memory_space<vmem>>) semaphore(%arg8 : memref<!tpu.dma_semaphore, #tpu.memory_space<semaphore_mem>>)
    %dma_wait3A_33 = arith.constant 1 : i32
    %dma_wait3A_34 = arith.constant 0 : i32
    %dma_wait3A_35 = tpu.memref_slice %arg5[%dma_wait3A_33, %dma_wait3A_34] : memref<4x128xi32, #tpu.memory_space<vmem>> -> memref<1x128xi32, #tpu.memory_space<vmem>>
    %dma_wait3A_36 = tpu.memref_squeeze %dma_wait3A_35 : memref<1x128xi32, #tpu.memory_space<vmem>> -> memref<128xi32, #tpu.memory_space<vmem>>
    %dma_wait3A_37 = arith.constant 0 : i32
    %dma_wait3A_38 = arith.constant 0 : i32
    %dma_wait3A_39 = tpu.memref_slice %arg3[%dma_wait3A_37, %dma_wait3A_38] : memref<100000x128xf32, #tpu.memory_space<hbm>> -> memref<100000x128xf32, #tpu.memory_space<hbm>>
    tpu.wait_indirect_dma semaphore(%arg8 : memref<!tpu.dma_semaphore, #tpu.memory_space<semaphore_mem>>) src(%dma_wait3A_39 : memref<100000x128xf32, #tpu.memory_space<hbm>>) dst(%arg7 : memref<128x128xf32, #tpu.memory_space<vmem>>)
    %add3A_40 = arith.constant 128 : i32
    %add3A_41 = arith.addi %mul3A_2, %add3A_40 : i32
    "tpu.region"() ({
      %run_scoped3A = tpu.sem_alloc : memref<!tpu.dma_semaphore, #tpu.memory_space<semaphore_mem>>
      %dma_start3A_67 = arith.constant 0 : i32
      %dma_start3A_68 = tpu.memref_slice %arg4[%add3A_41, %dma_start3A_67] : memref<16384x128xf32, #tpu.memory_space<hbm>> -> memref<128x128xf32, #tpu.memory_space<hbm>>
      %dma_start3A_69 = arith.constant 0 : i32
      %dma_start3A_70 = tpu.memref_slice %arg4[%add3A_41, %dma_start3A_69] : memref<16384x128xf32, #tpu.memory_space<hbm>> -> memref<128x128xf32, #tpu.memory_space<hbm>>
      tpu.enqueue_dma source(%arg7 : memref<128x128xf32, #tpu.memory_space<vmem>>) target(%dma_start3A_70 : memref<128x128xf32, #tpu.memory_space<hbm>>) target_semaphore(%run_scoped3A : memref<!tpu.dma_semaphore, #tpu.memory_space<semaphore_mem>>)
      %dma_wait3A_71 = arith.constant 0 : i32
      %dma_wait3A_72 = tpu.memref_slice %arg4[%add3A_41, %dma_wait3A_71] : memref<16384x128xf32, #tpu.memory_space<hbm>> -> memref<128x128xf32, #tpu.memory_space<hbm>>
      %dma_wait3A_73 = arith.constant 0 : i32
      %dma_wait3A_74 = tpu.memref_slice %arg4[%add3A_41, %dma_wait3A_73] : memref<16384x128xf32, #tpu.memory_space<hbm>> -> memref<128x128xf32, #tpu.memory_space<hbm>>
      tpu.wait_dma2 semaphore(%run_scoped3A : memref<!tpu.dma_semaphore, #tpu.memory_space<semaphore_mem>>) src(%arg7 : memref<128x128xf32, #tpu.memory_space<vmem>>) dst(%dma_wait3A_74 : memref<128x128xf32, #tpu.memory_space<hbm>>)
      tpu.yield
    }) : () -> ()
    %dma_start3A_42 = arith.constant 3 : i32
    %dma_start3A_43 = arith.constant 0 : i32
    %dma_start3A_44 = tpu.memref_slice %arg5[%dma_start3A_42, %dma_start3A_43] : memref<4x128xi32, #tpu.memory_space<vmem>> -> memref<1x128xi32, #tpu.memory_space<vmem>>
    %dma_start3A_45 = tpu.memref_squeeze %dma_start3A_44 : memref<1x128xi32, #tpu.memory_space<vmem>> -> memref<128xi32, #tpu.memory_space<vmem>>
    %dma_start3A_46 = arith.constant 0 : i32
    %dma_start3A_47 = arith.constant 0 : i32
    %dma_start3A_48 = tpu.memref_slice %arg3[%dma_start3A_46, %dma_start3A_47] : memref<100000x128xf32, #tpu.memory_space<hbm>> -> memref<100000x128xf32, #tpu.memory_space<hbm>>
    tpu.enqueue_indirect_dma source(%dma_start3A_48 : memref<100000x128xf32, #tpu.memory_space<hbm>>) target(%arg7 : memref<128x128xf32, #tpu.memory_space<vmem>>) offsets(%dma_start3A_45 : memref<128xi32, #tpu.memory_space<vmem>>) semaphore(%arg8 : memref<!tpu.dma_semaphore, #tpu.memory_space<semaphore_mem>>)
    %dma_wait3A_49 = arith.constant 2 : i32
    %dma_wait3A_50 = arith.constant 0 : i32
    %dma_wait3A_51 = tpu.memref_slice %arg5[%dma_wait3A_49, %dma_wait3A_50] : memref<4x128xi32, #tpu.memory_space<vmem>> -> memref<1x128xi32, #tpu.memory_space<vmem>>
    %dma_wait3A_52 = tpu.memref_squeeze %dma_wait3A_51 : memref<1x128xi32, #tpu.memory_space<vmem>> -> memref<128xi32, #tpu.memory_space<vmem>>
    %dma_wait3A_53 = arith.constant 0 : i32
    %dma_wait3A_54 = arith.constant 0 : i32
    %dma_wait3A_55 = tpu.memref_slice %arg3[%dma_wait3A_53, %dma_wait3A_54] : memref<100000x128xf32, #tpu.memory_space<hbm>> -> memref<100000x128xf32, #tpu.memory_space<hbm>>
    tpu.wait_indirect_dma semaphore(%arg8 : memref<!tpu.dma_semaphore, #tpu.memory_space<semaphore_mem>>) src(%dma_wait3A_55 : memref<100000x128xf32, #tpu.memory_space<hbm>>) dst(%arg6 : memref<128x128xf32, #tpu.memory_space<vmem>>)
    %add3A_56 = arith.constant 256 : i32
    %add3A_57 = arith.addi %mul3A_2, %add3A_56 : i32
    "tpu.region"() ({
      %run_scoped3A = tpu.sem_alloc : memref<!tpu.dma_semaphore, #tpu.memory_space<semaphore_mem>>
      %dma_start3A_67 = arith.constant 0 : i32
      %dma_start3A_68 = tpu.memref_slice %arg4[%add3A_57, %dma_start3A_67] : memref<16384x128xf32, #tpu.memory_space<hbm>> -> memref<128x128xf32, #tpu.memory_space<hbm>>
      %dma_start3A_69 = arith.constant 0 : i32
      %dma_start3A_70 = tpu.memref_slice %arg4[%add3A_57, %dma_start3A_69] : memref<16384x128xf32, #tpu.memory_space<hbm>> -> memref<128x128xf32, #tpu.memory_space<hbm>>
      tpu.enqueue_dma source(%arg6 : memref<128x128xf32, #tpu.memory_space<vmem>>) target(%dma_start3A_70 : memref<128x128xf32, #tpu.memory_space<hbm>>) target_semaphore(%run_scoped3A : memref<!tpu.dma_semaphore, #tpu.memory_space<semaphore_mem>>)
      %dma_wait3A_71 = arith.constant 0 : i32
      %dma_wait3A_72 = tpu.memref_slice %arg4[%add3A_57, %dma_wait3A_71] : memref<16384x128xf32, #tpu.memory_space<hbm>> -> memref<128x128xf32, #tpu.memory_space<hbm>>
      %dma_wait3A_73 = arith.constant 0 : i32
      %dma_wait3A_74 = tpu.memref_slice %arg4[%add3A_57, %dma_wait3A_73] : memref<16384x128xf32, #tpu.memory_space<hbm>> -> memref<128x128xf32, #tpu.memory_space<hbm>>
      tpu.wait_dma2 semaphore(%run_scoped3A : memref<!tpu.dma_semaphore, #tpu.memory_space<semaphore_mem>>) src(%arg6 : memref<128x128xf32, #tpu.memory_space<vmem>>) dst(%dma_wait3A_74 : memref<128x128xf32, #tpu.memory_space<hbm>>)
      tpu.yield
    }) : () -> ()
    %dma_wait3A_58 = arith.constant 3 : i32
    %dma_wait3A_59 = arith.constant 0 : i32
    %dma_wait3A_60 = tpu.memref_slice %arg5[%dma_wait3A_58, %dma_wait3A_59] : memref<4x128xi32, #tpu.memory_space<vmem>> -> memref<1x128xi32, #tpu.memory_space<vmem>>
    %dma_wait3A_61 = tpu.memref_squeeze %dma_wait3A_60 : memref<1x128xi32, #tpu.memory_space<vmem>> -> memref<128xi32, #tpu.memory_space<vmem>>
    %dma_wait3A_62 = arith.constant 0 : i32
    %dma_wait3A_63 = arith.constant 0 : i32
    %dma_wait3A_64 = tpu.memref_slice %arg3[%dma_wait3A_62, %dma_wait3A_63] : memref<100000x128xf32, #tpu.memory_space<hbm>> -> memref<100000x128xf32, #tpu.memory_space<hbm>>
    tpu.wait_indirect_dma semaphore(%arg8 : memref<!tpu.dma_semaphore, #tpu.memory_space<semaphore_mem>>) src(%dma_wait3A_64 : memref<100000x128xf32, #tpu.memory_space<hbm>>) dst(%arg7 : memref<128x128xf32, #tpu.memory_space<vmem>>)
    %add3A_65 = arith.constant 384 : i32
    %add3A_66 = arith.addi %mul3A_2, %add3A_65 : i32
    "tpu.region"() ({
      %run_scoped3A = tpu.sem_alloc : memref<!tpu.dma_semaphore, #tpu.memory_space<semaphore_mem>>
      %dma_start3A_67 = arith.constant 0 : i32
      %dma_start3A_68 = tpu.memref_slice %arg4[%add3A_66, %dma_start3A_67] : memref<16384x128xf32, #tpu.memory_space<hbm>> -> memref<128x128xf32, #tpu.memory_space<hbm>>
      %dma_start3A_69 = arith.constant 0 : i32
      %dma_start3A_70 = tpu.memref_slice %arg4[%add3A_66, %dma_start3A_69] : memref<16384x128xf32, #tpu.memory_space<hbm>> -> memref<128x128xf32, #tpu.memory_space<hbm>>
      tpu.enqueue_dma source(%arg7 : memref<128x128xf32, #tpu.memory_space<vmem>>) target(%dma_start3A_70 : memref<128x128xf32, #tpu.memory_space<hbm>>) target_semaphore(%run_scoped3A : memref<!tpu.dma_semaphore, #tpu.memory_space<semaphore_mem>>)
      %dma_wait3A_71 = arith.constant 0 : i32
      %dma_wait3A_72 = tpu.memref_slice %arg4[%add3A_66, %dma_wait3A_71] : memref<16384x128xf32, #tpu.memory_space<hbm>> -> memref<128x128xf32, #tpu.memory_space<hbm>>
      %dma_wait3A_73 = arith.constant 0 : i32
      %dma_wait3A_74 = tpu.memref_slice %arg4[%add3A_66, %dma_wait3A_73] : memref<16384x128xf32, #tpu.memory_space<hbm>> -> memref<128x128xf32, #tpu.memory_space<hbm>>
      tpu.wait_dma2 semaphore(%run_scoped3A : memref<!tpu.dma_semaphore, #tpu.memory_space<semaphore_mem>>) src(%arg7 : memref<128x128xf32, #tpu.memory_space<vmem>>) dst(%dma_wait3A_74 : memref<128x128xf32, #tpu.memory_space<hbm>>)
      tpu.yield
    }) : () -> ()
    return
  }
}

module attributes {stable_mosaic.version = 14 : i64} {
  func.func @_dense_body(%arg0: i32, %arg1: memref<4096x128xf32, #tpu.memory_space<vmem>>, %arg2: memref<4096x128xf32, #tpu.memory_space<vmem>>, %arg3: memref<128x64xf32, #tpu.memory_space<vmem>>, %arg4: memref<64xf32, #tpu.memory_space<vmem>>, %arg5: memref<64x32xf32, #tpu.memory_space<vmem>>, %arg6: memref<32xf32, #tpu.memory_space<vmem>>, %arg7: memref<64x1xf32, #tpu.memory_space<vmem>>, %arg8: memref<1xf32, #tpu.memory_space<vmem>>, %arg9: memref<4096xf32, #tpu.memory_space<vmem>>) attributes {dimension_semantics = [#tpu.dimension_semantics<arbitrary>], iteration_bounds = array<i64: 4>, scalar_prefetch = 0 : i64, scratch_operands = 0 : i64, tpu.core_type = #tpu.core_type<tc>, window_params = [{transform_indices = @transform_0, window_bounds = array<i64: 4096, 128>}, {transform_indices = @transform_1, window_bounds = array<i64: 4096, 128>}, {pipeline_mode = #tpu.pipeline_mode<synchronous>, transform_indices = @transform_2, window_bounds = array<i64: 128, 64>}, {pipeline_mode = #tpu.pipeline_mode<synchronous>, transform_indices = @transform_3, window_bounds = array<i64: 64>}, {pipeline_mode = #tpu.pipeline_mode<synchronous>, transform_indices = @transform_4, window_bounds = array<i64: 64, 32>}, {pipeline_mode = #tpu.pipeline_mode<synchronous>, transform_indices = @transform_5, window_bounds = array<i64: 32>}, {pipeline_mode = #tpu.pipeline_mode<synchronous>, transform_indices = @transform_6, window_bounds = array<i64: 64, 1>}, {pipeline_mode = #tpu.pipeline_mode<synchronous>, transform_indices = @transform_7, window_bounds = array<i64: 1>}, {transform_indices = @transform_8, window_bounds = array<i64: 4096>}]} {
    %get3A = arith.constant 0 : index
    %get3A_0 = arith.constant 0 : index
    %get3A_1 = vector.load %arg1[%get3A, %get3A_0] : memref<4096x128xf32, #tpu.memory_space<vmem>>, vector<4096x128xf32>
    %get3A_2 = arith.constant 0 : index
    %get3A_3 = arith.constant 0 : index
    %get3A_4 = vector.load %arg2[%get3A_2, %get3A_3] : memref<4096x128xf32, #tpu.memory_space<vmem>>, vector<4096x128xf32>
    %slice3A = vector.extract_strided_slice %get3A_1 {offsets = [0, 64], sizes = [4096, 32], strides = [1, 1]} : vector<4096x128xf32> to vector<4096x32xf32>
    %slice3A_5 = vector.extract_strided_slice %get3A_4 {offsets = [0, 64], sizes = [4096, 32], strides = [1, 1]} : vector<4096x128xf32> to vector<4096x32xf32>
    %mul3A = arith.mulf %slice3A, %slice3A_5 : vector<4096x32xf32>
    %slice3A_6 = vector.extract_strided_slice %get3A_1 {offsets = [0, 0], sizes = [4096, 64], strides = [1, 1]} : vector<4096x128xf32> to vector<4096x64xf32>
    %get3A_7 = arith.constant 0 : index
    %get3A_8 = arith.constant 0 : index
    %get3A_9 = vector.load %arg3[%get3A_7, %get3A_8] : memref<128x64xf32, #tpu.memory_space<vmem>>, vector<64x64xf32>
    %dot_general3A = arith.constant dense<0.000000e+00> : vector<4096x64xf32>
    %dot_general3A_10 = tpu.matmul %slice3A_6, %get3A_9, %dot_general3A {dimension_numbers = #tpu.dot_dimension_numbers<[1], [0], [0], [1], [0, 0, 1, 1], [], []>, transpose_lhs_hint = false} : vector<4096x64xf32>, vector<64x64xf32>, vector<4096x64xf32> -> vector<4096x64xf32>
    %slice3A_11 = vector.extract_strided_slice %get3A_4 {offsets = [0, 0], sizes = [4096, 64], strides = [1, 1]} : vector<4096x128xf32> to vector<4096x64xf32>
    %get3A_12 = arith.constant 64 : index
    %get3A_13 = arith.constant 0 : index
    %get3A_14 = vector.load %arg3[%get3A_12, %get3A_13] : memref<128x64xf32, #tpu.memory_space<vmem>>, vector<64x64xf32>
    %dot_general3A_15 = arith.constant dense<0.000000e+00> : vector<4096x64xf32>
    %dot_general3A_16 = tpu.matmul %slice3A_11, %get3A_14, %dot_general3A_15 {dimension_numbers = #tpu.dot_dimension_numbers<[1], [0], [0], [1], [0, 0, 1, 1], [], []>, transpose_lhs_hint = false} : vector<4096x64xf32>, vector<64x64xf32>, vector<4096x64xf32> -> vector<4096x64xf32>
    %add3A = arith.addf %dot_general3A_10, %dot_general3A_16 : vector<4096x64xf32>
    %get3A_17 = arith.constant 0 : index
    %get3A_18 = vector.load %arg4[%get3A_17] : memref<64xf32, #tpu.memory_space<vmem>>, vector<64xf32>
    %broadcast_in_dim3A = vector.shape_cast %get3A_18 : vector<64xf32> to vector<1x64xf32>
    %add3A_19 = vector.broadcast %broadcast_in_dim3A : vector<1x64xf32> to vector<4096x64xf32>
    %add3A_20 = arith.addf %add3A, %add3A_19 : vector<4096x64xf32>
    %max3A = arith.constant 0.000000e+00 : f32
    %max3A_21 = vector.broadcast %max3A : f32 to vector<4096x64xf32>
    %max3A_22 = arith.maximumf %add3A_20, %max3A_21 : vector<4096x64xf32>
    %get3A_23 = arith.constant 0 : index
    %get3A_24 = arith.constant 0 : index
    %get3A_25 = vector.load %arg5[%get3A_23, %get3A_24] : memref<64x32xf32, #tpu.memory_space<vmem>>, vector<64x32xf32>
    %dot_general3A_26 = arith.constant dense<0.000000e+00> : vector<4096x32xf32>
    %dot_general3A_27 = tpu.matmul %max3A_22, %get3A_25, %dot_general3A_26 {dimension_numbers = #tpu.dot_dimension_numbers<[1], [0], [0], [1], [0, 0, 1, 1], [], []>, transpose_lhs_hint = false} : vector<4096x64xf32>, vector<64x32xf32>, vector<4096x32xf32> -> vector<4096x32xf32>
    %get3A_28 = arith.constant 0 : index
    %get3A_29 = vector.load %arg6[%get3A_28] : memref<32xf32, #tpu.memory_space<vmem>>, vector<32xf32>
    %broadcast_in_dim3A_30 = vector.shape_cast %get3A_29 : vector<32xf32> to vector<1x32xf32>
    %add3A_31 = vector.broadcast %broadcast_in_dim3A_30 : vector<1x32xf32> to vector<4096x32xf32>
    %add3A_32 = arith.addf %dot_general3A_27, %add3A_31 : vector<4096x32xf32>
    %max3A_33 = arith.constant 0.000000e+00 : f32
    %max3A_34 = vector.broadcast %max3A_33 : f32 to vector<4096x32xf32>
    %max3A_35 = arith.maximumf %add3A_32, %max3A_34 : vector<4096x32xf32>
    %get3A_36 = arith.constant 0 : index
    %get3A_37 = arith.constant 0 : index
    %get3A_38 = vector.load %arg7[%get3A_36, %get3A_37] : memref<64x1xf32, #tpu.memory_space<vmem>>, vector<32x1xf32>
    %get3A_39 = vector.shape_cast %get3A_38 : vector<32x1xf32> to vector<32xf32>
    %get3A_40 = arith.constant 32 : index
    %get3A_41 = arith.constant 0 : index
    %get3A_42 = vector.load %arg7[%get3A_40, %get3A_41] : memref<64x1xf32, #tpu.memory_space<vmem>>, vector<32x1xf32>
    %get3A_43 = vector.shape_cast %get3A_42 : vector<32x1xf32> to vector<32xf32>
    %broadcast_in_dim3A_44 = vector.shape_cast %get3A_39 : vector<32xf32> to vector<1x32xf32>
    %mul3A_45 = vector.broadcast %broadcast_in_dim3A_44 : vector<1x32xf32> to vector<4096x32xf32>
    %mul3A_46 = arith.mulf %mul3A, %mul3A_45 : vector<4096x32xf32>
    %reduce_sum3A = arith.constant dense<0.000000e+00> : vector<4096xf32>
    %reduce_sum3A_47 = vector.multi_reduction <add>, %mul3A_46, %reduce_sum3A [1] : vector<4096x32xf32> to vector<4096xf32>
    %broadcast_in_dim3A_48 = vector.shape_cast %get3A_43 : vector<32xf32> to vector<1x32xf32>
    %mul3A_49 = vector.broadcast %broadcast_in_dim3A_48 : vector<1x32xf32> to vector<4096x32xf32>
    %mul3A_50 = arith.mulf %max3A_35, %mul3A_49 : vector<4096x32xf32>
    %reduce_sum3A_51 = arith.constant dense<0.000000e+00> : vector<4096xf32>
    %reduce_sum3A_52 = vector.multi_reduction <add>, %mul3A_50, %reduce_sum3A_51 [1] : vector<4096x32xf32> to vector<4096xf32>
    %add3A_53 = arith.addf %reduce_sum3A_47, %reduce_sum3A_52 : vector<4096xf32>
    %get3A_54 = arith.constant 0 : index
    %get3A_55 = vector.load %arg8[%get3A_54] : memref<1xf32, #tpu.memory_space<vmem>>, vector<1xf32>
    %add3A_56 = vector.broadcast %get3A_55 : vector<1xf32> to vector<4096xf32>
    %add3A_57 = arith.addf %add3A_53, %add3A_56 : vector<4096xf32>
    %logistic3A = arith.negf %add3A_57 : vector<4096xf32>
    %logistic3A_58 = math.exp %logistic3A : vector<4096xf32>
    %logistic3A_59 = arith.constant 1.000000e+00 : f32
    %logistic3A_60 = vector.broadcast %logistic3A_59 : f32 to vector<4096xf32>
    %logistic3A_61 = arith.addf %logistic3A_60, %logistic3A_58 : vector<4096xf32>
    %logistic3A_62 = arith.divf %logistic3A_60, %logistic3A_61 : vector<4096xf32>
    %swap3A = arith.constant 0 : index
    %swap3A_63 = vector.load %arg9[%swap3A] : memref<4096xf32, #tpu.memory_space<vmem>>, vector<4096xf32>
    tpu.vector_store %arg9[%swap3A], %logistic3A_62 {strides = array<i32>} : memref<4096xf32, #tpu.memory_space<vmem>>, vector<4096xf32>,
    return
  }
  func.func @transform_0(%arg0: i32) -> (i32, i32) {
    %c0_i32 = arith.constant 0 : i32
    %c0_i32_0 = arith.constant 0 : i32
    return %arg0, %c0_i32 : i32, i32
  }
  func.func @transform_1(%arg0: i32) -> (i32, i32) {
    %c0_i32 = arith.constant 0 : i32
    %c0_i32_0 = arith.constant 0 : i32
    return %arg0, %c0_i32 : i32, i32
  }
  func.func @transform_2(%arg0: i32) -> (i32, i32) {
    %c0_i32 = arith.constant 0 : i32
    %c0_i32_0 = arith.constant 0 : i32
    %c0_i32_1 = arith.constant 0 : i32
    return %c0_i32, %c0_i32_0 : i32, i32
  }
  func.func @transform_3(%arg0: i32) -> i32 {
    %c0_i32 = arith.constant 0 : i32
    %c0_i32_0 = arith.constant 0 : i32
    return %c0_i32 : i32
  }
  func.func @transform_4(%arg0: i32) -> (i32, i32) {
    %c0_i32 = arith.constant 0 : i32
    %c0_i32_0 = arith.constant 0 : i32
    %c0_i32_1 = arith.constant 0 : i32
    return %c0_i32, %c0_i32_0 : i32, i32
  }
  func.func @transform_5(%arg0: i32) -> i32 {
    %c0_i32 = arith.constant 0 : i32
    %c0_i32_0 = arith.constant 0 : i32
    return %c0_i32 : i32
  }
  func.func @transform_6(%arg0: i32) -> (i32, i32) {
    %c0_i32 = arith.constant 0 : i32
    %c0_i32_0 = arith.constant 0 : i32
    %c0_i32_1 = arith.constant 0 : i32
    return %c0_i32, %c0_i32_0 : i32, i32
  }
  func.func @transform_7(%arg0: i32) -> i32 {
    %c0_i32 = arith.constant 0 : i32
    %c0_i32_0 = arith.constant 0 : i32
    return %c0_i32 : i32
  }
  func.func @transform_8(%arg0: i32) -> i32 {
    %c0_i32 = arith.constant 0 : i32
    return %arg0 : i32
  }
}

module attributes {stable_mosaic.version = 14 : i64} {
  func.func @_compact_body(%arg0: i32, %arg1: memref<32x8192xf32, #tpu.memory_space<vmem>>, %arg2: memref<64x8192xf32, #tpu.memory_space<vmem>>, %arg3: memref<8192x128xf32, #tpu.memory_space<vmem>>) attributes {dimension_semantics = [#tpu.dimension_semantics<arbitrary>], iteration_bounds = array<i64: 13>, scalar_prefetch = 0 : i64, scratch_operands = 0 : i64, tpu.core_type = #tpu.core_type<tc>, window_params = [{transform_indices = @transform_0, window_bounds = array<i64: 32, 8192>}, {transform_indices = @transform_1, window_bounds = array<i64: 64, 8192>}, {transform_indices = @transform_2, window_bounds = array<i64: 8192, 128>}]} {
    %get3A = arith.constant 0 : index
    %get3A_0 = arith.constant 0 : index
    %get3A_1 = vector.load %arg2[%get3A, %get3A_0] : memref<64x8192xf32, #tpu.memory_space<vmem>>, vector<64x8192xf32>
    %transpose3A = tpu.transpose %get3A_1, [1, 0] : vector<64x8192xf32> -> vector<8192x64xf32>
    %get3A_2 = arith.constant 0 : index
    %get3A_3 = arith.constant 0 : index
    %get3A_4 = vector.load %arg1[%get3A_2, %get3A_3] : memref<32x8192xf32, #tpu.memory_space<vmem>>, vector<32x8192xf32>
    %transpose3A_5 = tpu.transpose %get3A_4, [1, 0] : vector<32x8192xf32> -> vector<8192x32xf32>
    %broadcast_in_dim3A = arith.constant 0.000000e+00 : f32
    %broadcast_in_dim3A_6 = vector.broadcast %broadcast_in_dim3A : f32 to vector<8192x32xf32>
    %concatenate3A = tpu.concatenate %transpose3A, %transpose3A_5, %broadcast_in_dim3A_6 in 1 : vector<8192x64xf32>, vector<8192x32xf32>, vector<8192x32xf32> -> vector<8192x128xf32>
    %swap3A = arith.constant 0 : index
    %swap3A_7 = arith.constant 0 : index
    %swap3A_8 = vector.load %arg3[%swap3A, %swap3A_7] : memref<8192x128xf32, #tpu.memory_space<vmem>>, vector<8192x128xf32>
    tpu.vector_store %arg3[%swap3A, %swap3A_7], %concatenate3A {strides = array<i32>} : memref<8192x128xf32, #tpu.memory_space<vmem>>, vector<8192x128xf32>,
    return
  }
  func.func @transform_0(%arg0: i32) -> (i32, i32) {
    %c0_i32 = arith.constant 0 : i32
    %c0_i32_0 = arith.constant 0 : i32
    return %c0_i32, %arg0 : i32, i32
  }
  func.func @transform_1(%arg0: i32) -> (i32, i32) {
    %c0_i32 = arith.constant 0 : i32
    %c0_i32_0 = arith.constant 0 : i32
    return %c0_i32, %arg0 : i32, i32
  }
  func.func @transform_2(%arg0: i32) -> (i32, i32) {
    %c0_i32 = arith.constant 0 : i32
    %c0_i32_0 = arith.constant 0 : i32
    return %arg0, %c0_i32 : i32, i32
  }
}

</mosaic_0001>

<sc_bundles>
// kernel: kernel.10.cloned.1.call-start
scs
__scs_entry_jumppad:
0x0: {  	(pc) =	sbr.rel $0x88, $3  }
0x1: {  	(tag) =	ssettag $0x0;
	lr =	simm.s32 $0x1  }
0x2: {  	[smem:$0x3F95] =	sst lr;
	_ =	strace $0xD0000000  }
0x3: {  	_ = 	snop  }
0x4: {  	_ = 	snop  }
0x5: {  	_ = 	snop  }
0x6: {  	_ = 	snop  }
0x7: {  	_ = 	snop  }
__scs_overlays_trampoline_lowered:
0x8: {  	[smem:$0x3FA4] =	sst s0  }
0x9: {  	[smem:$0x3FA5] =	sst s1  }
0xa: {  	[smem:$0x3FA6] =	sst s2  }
0xb: {  	[smem:$0x3FA7] =	sst s3  }
0xc: {  	[smem:$0x3FA8] =	sst s4  }
0xd: {  	[smem:$0x3FA9] =	sst s5  }
0xe: {  	[smem:$0x3FAA] =	sst s6  }
0xf: {  	[smem:$0x3FAB] =	sst s7  }
0x10: {  	[smem:$0x3FAC] =	sst s8  }
0x11: {  	[smem:$0x3FAD] =	sst s9;
	s0 =	simm.s32 @!p0 $0x0  }
0x12: {  	s1 =	sld [smem:$0x3F93];
	s0 =	simm.s32 @p0 $0x1  }
0x13: {  	[smem:$0x3FAE] =	sst s0;
	s0 =	simm.s32 @!p1 $0x0  }
0x14: {  	s2 =	sld [smem:$0x3F92];
	s0 =	simm.s32 @p1 $0x1  }
0x15: {  	[smem:$0x3FAF] =	sst s0;
	s0 =	simm.s32 @!p2 $0x0  }
0x16: {  	s3 =	sld [smem:$0x3FDB];
	s0 =	simm.s32 @p2 $0x1  }
0x17: {  	s4 =	simm.s32 $0x1BF5;
	[smem:$0x3FB1] =	sst s0  }
0x18: {  	s0 =	sld [smem:$0x3F94];
	_ =	swait.ge [sflag:s4], $0x0  }
0x19: {  	s7 =	sld [smem:$0x3F95]  }
0x1a: {  	s8 =	sadd.s32 $0xFFFFE003, lr  }
0x1b: {  	s9 =	sadd.s32 $0xFFFFFEF7, lr;
	s5 =	simm.s32 $0xFFFFFFFF;
	p2 =	slt.u32 s8, $0xFFFFF086  }
0x1c: {  	p1 =	slt.u32 s9, $0xF7A;
	s5 =	simm.s32 @!p2 $0x0  }
0x1d: {  	s5 =	simm.s32 @p1 $0x1;
	p0 =	seq.s32 s7, s2  }
0x1e: {  	s7 =	smul.u32 @!p0 $0xF7A, s2;
	p2 =	seq.s32 @!p0 s5, $0x0  }
0x1f: {  	s9 =	smul.u32 $0xF7A, s1;
	s8 =	simm.s32 @!p0 $0x1BF5;
	p2 =	por !p2, p0  }
0x20: {  	[sflag:s8] =	ssyncset.s32 @!p0 $0xFFFFF086;
	s6 =	sadd.s32 @!p0 s3, s7;
	s7 =	simm.s32 @!p0 $0x108  }
0x21: {  	s3 =	sadd.s32 s3, s9;
	s6 =	sadd.s32 @!p0 $0x88, s6;
	s7 =	simm.s32 @p2 $0x1082  }
0x22: {  	[simem:s7], [sflag:s8] =	dma.local @!p0 [hbm:s6], $0xF7A  }
0x23: {  	s9 =	sor.u32 $0xD0000000, s2;
	s6 =	simm.s32 $0x108;
	_ =	swait.ge @!p0 [sflag:s8], $0x0  }
0x24: {  	s3 =	sadd.s32 $0x88, s3;
	s6 =	simm.s32 @!p1 $0x1082;
	[sflag:s4] =	ssyncset.s32 $0xFFFFF086  }
0x25: {  	[simem:s6], [sflag:s4] =	dma.local [hbm:s3], $0xF7A  }
0x26: {  	[smem:$0x3F95] =	sst s1;
	(tag) =	ssettag s2;
	_ =	strace s9  }
0x27: {  	s1 =	sld [smem:$0x3FA5]  }
0x28: {  	s2 =	sld [smem:$0x3FA6]  }
0x29: {  	s4 =	sld [smem:$0x3FA8]  }
0x2a: {  	p0 =	seq.s32 s5, $0x0;
	s5 =	sld [smem:$0x3FA9]  }
0x2b: {  	s6 =	sld [smem:$0x3FAA]  }
0x2c: {  	s7 =	sld [smem:$0x3FAB]  }
0x2d: {  	s3 =	simm.s32 $0x108;
	s8 =	sld [smem:$0x3FAC]  }
0x2e: {  	s3 =	simm.s32 @!p0 $0x1082;
	s9 =	sld [smem:$0x3FAD]  }
0x2f: {  	lr =	sadd.s32 s0, s3;
	s0 =	sld [smem:$0x3FA4]  }
0x30: {  	s3 =	sld [smem:$0x3FA7]  }
0x31: {  	[smem:$0x3FB0] =	sst s10  }
0x32: {  	s10 =	sld [smem:$0x3FAE];
	_ =	sdelay $0x3  }
0x33: {  	p0 =	seq.s32 s10, $0x1;
	s10 =	sld [smem:$0x3FB0];
	_ =	sdelay $0x3  }
0x34: {  	[smem:$0x3FB0] =	sst s10  }
0x35: {  	s10 =	sld [smem:$0x3FAF];
	_ =	sdelay $0x3  }
0x36: {  	p1 =	seq.s32 s10, $0x1;
	s10 =	sld [smem:$0x3FB0];
	_ =	sdelay $0x3  }
0x37: {  	[smem:$0x3FB0] =	sst s10  }
0x38: {  	s10 =	sld [smem:$0x3FB1]  }
0x39: {  	_ = 	snop;
	(pc) =	sbr.ind lr, $3  }
0x3a: {  	_ = 	snop  }
0x3b: {  	_ = 	snop  }
0x3c: {  	p2 =	seq.s32 s10, $0x1;
	s10 =	sld [smem:$0x3FB0]  }
0x3d: {  	_ =	shalt  }
0x3e: {  	_ =	shalt  }
0x3f: {  	_ =	shalt  }
0x40: {  	_ =	shalt  }
0x41: {  	_ =	shalt  }
0x42: {  	_ =	shalt  }
0x43: {  	_ =	shalt  }
0x44: {  	_ =	shalt  }
0x45: {  	_ =	shalt  }
0x46: {  	_ =	shalt  }
0x47: {  	_ =	shalt  }
0x48: {  	_ =	shalt  }
0x49: {  	_ =	shalt  }
0x4a: {  	_ =	shalt  }
0x4b: {  	_ =	shalt  }
0x4c: {  	_ =	shalt  }
0x4d: {  	_ =	shalt  }
0x4e: {  	_ =	shalt  }
0x4f: {  	_ =	shalt  }
0x50: {  	_ =	shalt  }
0x51: {  	_ =	shalt  }
0x52: {  	_ =	shalt  }
0x53: {  	_ =	shalt  }
0x54: {  	_ =	shalt  }
0x55: {  	_ =	shalt  }
0x56: {  	_ =	shalt  }
0x57: {  	_ =	shalt  }
0x58: {  	_ =	shalt  }
0x59: {  	_ =	shalt  }
0x5a: {  	_ =	shalt  }
0x5b: {  	_ =	shalt  }
0x5c: {  	_ =	shalt  }
0x5d: {  	_ =	shalt  }
0x5e: {  	_ =	shalt  }
0x5f: {  	_ =	shalt  }
0x60: {  	_ =	shalt  }
0x61: {  	_ =	shalt  }
0x62: {  	_ =	shalt  }
0x63: {  	_ =	shalt  }
0x64: {  	_ =	shalt  }
0x65: {  	_ =	shalt  }
0x66: {  	_ =	shalt  }
0x67: {  	_ =	shalt  }
0x68: {  	_ =	shalt  }
0x69: {  	_ =	shalt  }
0x6a: {  	_ =	shalt  }
0x6b: {  	_ =	shalt  }
0x6c: {  	_ =	shalt  }
0x6d: {  	_ =	shalt  }
0x6e: {  	_ =	shalt  }
0x6f: {  	_ =	shalt  }
0x70: {  	_ =	shalt  }
0x71: {  	_ =	shalt  }
0x72: {  	_ =	shalt  }
0x73: {  	_ =	shalt  }
0x74: {  	_ =	shalt  }
0x75: {  	_ =	shalt  }
0x76: {  	_ =	shalt  }
0x77: {  	_ =	shalt  }
0x78: {  	_ =	shalt  }
0x79: {  	_ =	shalt  }
0x7a: {  	_ =	shalt  }
0x7b: {  	_ =	shalt  }
0x7c: {  	_ =	shalt  }
0x7d: {  	_ =	shalt  }
0x7e: {  	_ =	shalt  }
0x7f: {  	_ =	shalt  }
0x80: {  	_ =	shalt  }
0x81: {  	_ =	shalt  }
0x82: {  	_ =	shalt  }
0x83: {  	_ =	shalt  }
0x84: {  	_ =	shalt  }
0x85: {  	_ =	shalt  }
0x86: {  	_ =	shalt  }
0x87: {  	_ =	shalt  }
.Lfunc_end0:
.L_simem_size_0:
called_computation.1_lowered:
.L_overlay_start_0:
0x88: {  	s2 =	sld [smem:$0x3FD9]  }
0x89: {  	s3 =	sld [smem:$0x3FFE];
	_ =	sdelay $0x1  }
0x8a: {  	s1 =	srdreg.scid  }
0x8b: {  	s0 =	sand.u32 $0x1, s1  }
0x8c: {  	s17 =	sshll.u32 s0, $0xA;
	s2 =	sadd.s32 s3, s2  }
0x8d: {  	s2 =	sadd.s32 s2, s17  }
0x8e: {  	[smem:$0x3FBC] =	sst s2  }
0x8f: {  	_ = 	snop  }
0x90: {  	s2 =	sld [smem:$0x3FBE];
	(tm) =	ssettm $0x1  }
0x91: {  	s18 =	sld [smem:$0x3FFB];
	_ =	sdelay $0x3  }
0x92: {  	_ =	strace s18  }
0x93: {  	s3 =	sld [smem:$0x3FFC];
	_ =	sdelay $0x3  }
0x94: {  	_ =	strace s3  }
0x95: {  	s3 =	sld [smem:$0x3FFD];
	_ =	sdelay $0x3  }
0x96: {  	_ =	strace s3  }
0x97: {  	_ =	strace $0x8FFFFFFF  }
0x98: {  	s19 =	sld [smem:$0x3FDB];
	_ =	sdelay $0x1  }
0x99: {  	s4 =	simm.s32 $_scs_section_size  }
0x9a: {  	s5 =	simm.s32 $_size__tile_overlayer_lowered;
	s6 =	simm.s32 $_tile_overlayer_lowered  }
0x9b: {  	s22 =	simm.s32 $0x1BFF;
	s21 =	sshll.u32 s6, $0x1;
	s3 =	sadd.s32 s4, s19  }
0x9c: {  	s7 =	simm.s32 $0x0;
	s20 =	sshll.u32 s5, $0x1;
	s5 =	sadd.s32 s21, s3  }
0x9d: {  	[timem:s7], [sflag:s22] =	dma.local [hbm:s5], s20  }
0x9e: {  	_ =	swait.ge [sflag:s22], s20  }
0x9f: {  	s4 =	ssub.s32 $0x0, s20;
	[sflag:s22] =	ssyncset.done $0x0  }
0xa0: {  	[sflag:s22] =	ssyncadd.s32 s4;
	_ =	sdelay $0x1  }
0xa1: {  	s23 =	simm.s32 $0x1B8B  }
0xa2: {  	_ =	swait.ge [sflag:s23], $0x1  }
0xa3: {  	[sflag:s23] =	ssyncset.done $0x0  }
0xa4: {  	s25 =	simm.s32 $0x1B8E;
	s24 =	sld [smem:$0x3FFE];
	[sflag:s23] =	ssyncadd.s32 $0xFFFFFFFF  }
0xa5: {  	s26 =	simm.s32 $execute0_lowered;
	[smem:$0x3FD2] =	sst s25  }
0xa6: {  	s5 =	sshll.u32 s26, $0x1;
	_ =	strace $0x80000046;
	[dreg:$0x1] =	wrdreg $0xFFFFFFFF  }
0xa7: {  	s28 =	simm.s32 $_size_execute0_lowered;
	s3 =	sadd.s32 s3, s5;
	[dreg:$0x0] =	wrdreg $0x0  }
0xa8: {  	s5 =	sshll.u32 s28, $0x1;
	[dreg:$0x2] =	wrdreg s3  }
0xa9: {  	[dreg:$0x3] =	wrdreg s5  }
0xaa: {  	[dreg:$0x4] =	wrdreg $0xC0  }
0xab: {  	_ =	task [dreg:s7], $0x5FFFF  }
0xac: {  	[dreg:$0x1] =	wrdreg $0xFFFFFFFF  }
0xad: {  	[dreg:$0x0] =	wrdreg $0x60  }
0xae: {  	[dreg:$0x2] =	wrdreg s2  }
0xaf: {  	[dreg:$0x3] =	wrdreg s24  }
0xb0: {  	[dreg:$0x4] =	wrdreg $0xA  }
0xb1: {  	_ =	task.clear_ibuf [dreg:s7], $0x5FFFF;
	_ =	strace $0x90000046  }
0xb2: {  	s29 =	simm.s32 $0xA;
	_ =	strace $0x80000048  }
0xb3: {  	_ =	swait.ge [sflag:s29], $0x1  }
0xb4: {  	[sflag:s29] =	ssyncadd.s32 $0xFFFFFFFF  }
0xb5: {  	_ =	strace $0x90000048  }
0xb6: {  	_ =	sfence  }
0xb7: {  	s30 =	sld [smem:$0x0];
	_ =	sdelay $0x2  }
0xb8: {  	s31 =	sshll.u32 s1, $0xD;
	s1 =	sshrl.u32 s1, $0x2  }
0xb9: {  	s3 =	sand.u32 $0x4000, s31;
	s1 =	sadd.s32 s1, s30  }
0xba: {  	s0 =	sor.u32 s3, s0;
	s1 =	sshll.u32 s1, $0x11  }
0xbb: {  	s0 =	sor.u32 s1, s0  }
0xbc: {  	s0 =	sadd.s32 $0x8F2B, s0  }
0xbd: {  	[sflag:s0] =	ssyncadd.remote.s32 $0x1  }
0xbe: {  	_ =	sfence.sel $0xFFFF  }
0xbf: {  	[dreg:$0x0] =	wrdreg $0xFFFFFFFF;
	(pc) =	sbr.abs _section_cstart, $3  }
0xc0: {  	[dreg:$0x1] =	wrdreg $0xFFFFFFFF  }
0xc1: {  	_ =	task.clear_ibuf [dreg:s7], $0x2FFFF;
	_ =	strace $0x9FFFFFFF  }
0xc2: {  	(tm) =	ssettm $0x7FFFFFFF  }
0xc3: {  	_ =	shalt  }
tec
execute0_lowered:
.L_overlay_start_1:
0x0: {  	(tag) =	ssettag $0x1  }
0x1: {  	s3 =	rddreg [dreg:$0x0]  }
0x2: {  	s10 =	rddreg [dreg:$0x1];
	s1 =	srdreg.scid  }
0x3: {  	s0 =	rddreg [dreg:$0x2];
	s15 =	sand.u32 $0x1, s1  }
0x4: {  	s2 =	simm.s32 $0x0;
	s1 =	stileid.u32;
	s4 =	sshll.u32 s15, $0x6  }
0x5: {  	[smem:$0x7FF] =	sst s2;
	s5 =	sshll.u32 s1, $0x7;
	s3 =	sadd.s32 s3, s4  }
0x6: {  	_ =	strace $0x80000047;
	s4 =	sadd.s32 s5, s3;
	s3 =	simm.s32 $0x2  }
0x7: {  	[tilespmem:s2], [sflag:$0x2] =	stream.linear.gather [hbm4b:s4+s2], $0x200, $0x38;
	[tilespmem:$0x8200] =	vst v63  }
0x8: {  	_ =	swait.ge [sflag:s3], $0x200  }
0x9: {  	s6 =	simm.s32 $0x80;
	s7 =	simm.s32 $0x200;
	[sflag:s3] =	ssyncset.done $0x0  }
0xa: {  	s8 =	simm.s32 $0x4200;
	s5 =	sadd.s32 $0x2800, s10;
	[sflag:s3] =	ssyncadd.s32 $0xFFFFFE00  }
0xb: {  	[tilespmem:s7], [sflag:$0x1] =	stream.indirect.gather [hbm4b:s5+s6], $0x80, s2, s6, $0xb8;
	[tilespmem:$0x8200] =	vst v63  }
0xc: {  	s9 =	simm.s32 $0x1;
	s11 =	sshll.u32 s1, $0xE;
	s12 =	sshll.u32 s15, $0xD  }
0xd: {  	[tilespmem:s8], [sflag:$0x1] =	stream.indirect.gather [hbm4b:s5+s6], $0x80, s6, s6, $0xb8;
	[tilespmem:$0x8200] =	vst v63  }
0xe: {  	s11 =	sor.u32 s12, s11;
	_ =	swait.ge [sflag:s9], $0x4000  }
0xf: {  	s16 =	sadd.s32 s11, s10;
	[sflag:s9] =	ssyncset.done $0x0  }
0x10: {  	s10 =	sadd.s32 $0x189200, s16;
	[sflag:s9] =	ssyncadd.s32 $0xFFFFC000  }
0x11: {  	[hbm4b:s10+s2] =	stream.linear.scatter [tilespmem:s7], [sflag:$0x2], $0x4000, $0x38;
	[tilespmem:$0x8200] =	vst v63  }
0x12: {  	_ =	swait.ge [sflag:s3], $0x4000  }
0x13: {  	[sflag:s3] =	ssyncset.done $0x0  }
0x14: {  	s11 =	simm.s32 $0x100;
	[sflag:s3] =	ssyncadd.s32 $0xFFFFC000  }
0x15: {  	[tilespmem:s7], [sflag:$0x1] =	stream.indirect.gather [hbm4b:s5+s6], $0x80, s11, s6, $0xb8;
	[tilespmem:$0x8200] =	vst v63  }
0x16: {  	_ =	swait.ge [sflag:s9], $0x4000  }
0x17: {  	[sflag:s9] =	ssyncset.done $0x0  }
0x18: {  	s12 =	sadd.s32 $0x189A00, s16;
	[sflag:s9] =	ssyncadd.s32 $0xFFFFC000  }
0x19: {  	[hbm4b:s12+s2] =	stream.linear.scatter [tilespmem:s8], [sflag:$0x2], $0x4000, $0x38;
	[tilespmem:$0x8200] =	vst v63  }
0x1a: {  	_ =	swait.ge [sflag:s3], $0x4000  }
0x1b: {  	[sflag:s3] =	ssyncset.done $0x0  }
0x1c: {  	s13 =	simm.s32 $0x180;
	[sflag:s3] =	ssyncadd.s32 $0xFFFFC000  }
0x1d: {  	[tilespmem:s8], [sflag:$0x1] =	stream.indirect.gather [hbm4b:s5+s6], $0x80, s13, s6, $0xb8;
	[tilespmem:$0x8200] =	vst v63  }
0x1e: {  	_ =	swait.ge [sflag:s9], $0x4000  }
0x1f: {  	[sflag:s9] =	ssyncset.done $0x0  }
0x20: {  	s15 =	ssub.s32 $0x2, s15;
	s14 =	sadd.s32 $0x18A200, s16;
	[sflag:s9] =	ssyncadd.s32 $0xFFFFC000  }
0x21: {  	[hbm4b:s14+s2] =	stream.linear.scatter [tilespmem:s7], [sflag:$0x2], $0x4000, $0x38;
	[tilespmem:$0x8200] =	vst v63  }
0x22: {  	s17 =	sshrl.u32 s15, $0x1;
	_ =	swait.ge [sflag:s3], $0x4000  }
0x23: {  	s17 =	ssub.s32 s15, s17;
	[sflag:s3] =	ssyncset.done $0x0  }
0x24: {  	s31 =	smax.u32 s17, $0x1;
	[sflag:s3] =	ssyncadd.s32 $0xFFFFC000  }
0x25: {  	p0 =	sne.s32 s31, $0x1;
	_ =	swait.ge [sflag:s9], $0x4000  }
.Ltmp0:
0x26: {  	[sflag:s9] =	ssyncset.done $0x0;
	(pc) =	sbr.rel @!p0 .LBB2_2-.Ltmp0, $4  }
0x27: {  	s15 =	sadd.s32 $0x18AA00, s16;
	[sflag:s9] =	ssyncadd.s32 $0xFFFFC000  }
0x28: {  	[hbm4b:s15+s2] =	stream.linear.scatter [tilespmem:s8], [sflag:$0x2], $0x4000, $0x38;
	[tilespmem:$0x8200] =	vst v63  }
0x29: {  	_ =	swait.ge [sflag:s3], $0x4000  }
0x2a: {  	s16 =	sadd.s32 $0xFFFFFFFF, s31;
	[sflag:s3] =	ssyncset.done $0x0  }
.LBB2_1:
0x2b: {  	p0 =	sne.s32 s16, $0x1;
	s16 =	sadd.s32 $0xFFFFFFFF, s16;
	[sflag:s3] =	ssyncadd.s32 $0xFFFFC000  }
0x2c: {  	[tilespmem:s2], [sflag:$0x2] =	stream.linear.gather [hbm4b:s4+s2], $0x200, $0x38;
	[tilespmem:$0x8200] =	vst v63  }
0x2d: {  	_ =	swait.ge [sflag:s3], $0x200  }
0x2e: {  	[sflag:s3] =	ssyncset.done $0x0  }
0x2f: {  	[sflag:s3] =	ssyncadd.s32 $0xFFFFFE00  }
0x30: {  	[tilespmem:s7], [sflag:$0x1] =	stream.indirect.gather [hbm4b:s5+s6], $0x80, s2, s6, $0xb8;
	[tilespmem:$0x8200] =	vst v63  }
0x31: {  	_ = 	snop  }
0x32: {  	[tilespmem:s8], [sflag:$0x1] =	stream.indirect.gather [hbm4b:s5+s6], $0x80, s6, s6, $0xb8;
	[tilespmem:$0x8200] =	vst v63  }
0x33: {  	_ =	swait.ge [sflag:s9], $0x4000  }
0x34: {  	[sflag:s9] =	ssyncset.done $0x0  }
0x35: {  	[sflag:s9] =	ssyncadd.s32 $0xFFFFC000  }
0x36: {  	[hbm4b:s10+s2] =	stream.linear.scatter [tilespmem:s7], [sflag:$0x2], $0x4000, $0x38;
	[tilespmem:$0x8200] =	vst v63  }
0x37: {  	_ =	swait.ge [sflag:s3], $0x4000  }
0x38: {  	[sflag:s3] =	ssyncset.done $0x0  }
0x39: {  	[sflag:s3] =	ssyncadd.s32 $0xFFFFC000  }
0x3a: {  	[tilespmem:s7], [sflag:$0x1] =	stream.indirect.gather [hbm4b:s5+s6], $0x80, s11, s6, $0xb8;
	[tilespmem:$0x8200] =	vst v63  }
0x3b: {  	_ =	swait.ge [sflag:s9], $0x4000  }
0x3c: {  	[sflag:s9] =	ssyncset.done $0x0  }
0x3d: {  	[sflag:s9] =	ssyncadd.s32 $0xFFFFC000  }
0x3e: {  	[hbm4b:s12+s2] =	stream.linear.scatter [tilespmem:s8], [sflag:$0x2], $0x4000, $0x38;
	[tilespmem:$0x8200] =	vst v63  }
0x3f: {  	_ =	swait.ge [sflag:s3], $0x4000  }
0x40: {  	[sflag:s3] =	ssyncset.done $0x0  }
0x41: {  	[sflag:s3] =	ssyncadd.s32 $0xFFFFC000  }
0x42: {  	[tilespmem:s8], [sflag:$0x1] =	stream.indirect.gather [hbm4b:s5+s6], $0x80, s13, s6, $0xb8;
	[tilespmem:$0x8200] =	vst v63  }
0x43: {  	_ =	swait.ge [sflag:s9], $0x4000  }
0x44: {  	[sflag:s9] =	ssyncset.done $0x0  }
0x45: {  	[sflag:s9] =	ssyncadd.s32 $0xFFFFC000  }
0x46: {  	[hbm4b:s14+s2] =	stream.linear.scatter [tilespmem:s7], [sflag:$0x2], $0x4000, $0x38;
	[tilespmem:$0x8200] =	vst v63  }
0x47: {  	_ =	swait.ge [sflag:s3], $0x4000  }
0x48: {  	[sflag:s3] =	ssyncset.done $0x0  }
0x49: {  	[sflag:s3] =	ssyncadd.s32 $0xFFFFC000  }
0x4a: {  	_ =	swait.ge [sflag:s9], $0x4000  }
.Ltmp1:
0x4b: {  	[sflag:s9] =	ssyncset.done $0x0;
	(pc) =	sbr.rel @p0 .LBB2_1-.Ltmp1, $4  }
0x4c: {  	[sflag:s9] =	ssyncadd.s32 $0xFFFFC000  }
0x4d: {  	[hbm4b:s15+s2] =	stream.linear.scatter [tilespmem:s8], [sflag:$0x2], $0x4000, $0x38;
	[tilespmem:$0x8200] =	vst v63  }
0x4e: {  	_ =	swait.ge [sflag:s3], $0x4000  }
0x4f: {  	[sflag:s3] =	ssyncset.done $0x0  }
.LBB2_2:
0x50: {  	[sflag:s3] =	ssyncadd.s32 $0xFFFFC000  }
0x51: {  	_ =	sfence.sel $0x180000  }
0x52: {  	[bflag:$0x0] =	sbarrier.arrive $0xFFFF  }
0x53: {  	p0 =	sne.s32 s1, $0x0;
	_ =	strace $0x90000047  }
0x54: {  	s0 =	sadd.s32 @!p0 $0x100000, s0;
	[bflag:$0x2] =	sbarrier.arrive $0xFFFF  }
0x55: {  	[sflag:s0] =	ssyncadd.tile.s32 @!p0 $0x1;
	_ =	shalt  }
.Lfunc_end2:
_tile_overlayer_lowered:
.L_overlay_start_2:
0x56: {  	(tag) =	ssettag $0x2  }
0x57: {  	s0 =	rddreg [dreg:$0x0];
	s2 =	stileid.u32  }
0x58: {  	s1 =	rddreg [dreg:$0x1];
	p0 =	sne.s32 s2, $0x0  }
0x59: {  	s3 =	rddreg [dreg:$0x2];
	[bflag:$0x3] =	sbarrier.arrive $0xFFFF;
	s2 =	simm.s32 @!p0 $0x1C02  }
0x5a: {  	[timem:s3], [sflag:s2] =	dma.local @!p0 [hbm:s0], s1  }
0x5b: {  	s0 =	simm.s32 @!p0 $0x2  }
0x5c: {  	_ =	swait.ge @!p0 [sflag:s0], s1  }
0x5d: {  	s1 =	ssub.s32 @!p0 $0x0, s1;
	[sflag:s0] =	ssyncset.done @!p0 $0x0  }
0x5e: {  	[sflag:s0] =	ssyncadd.s32 @!p0 s1  }
0x5f: {  	[bflag:$0x3] =	sbarrier.arrive $0xFFFF  }
0x60: {  	_ =	shalt  }

// kernel: kernel.7.cloned.1.call-start
scs
__scs_entry_jumppad:
0x0: {  	(pc) =	sbr.rel $0x88, $3  }
0x1: {  	(tag) =	ssettag $0x0;
	lr =	simm.s32 $0x1  }
0x2: {  	[smem:$0x3F95] =	sst lr;
	_ =	strace $0xD0000000  }
0x3: {  	_ = 	snop  }
0x4: {  	_ = 	snop  }
0x5: {  	_ = 	snop  }
0x6: {  	_ = 	snop  }
0x7: {  	_ = 	snop  }
__scs_overlays_trampoline_lowered:
0x8: {  	[smem:$0x3FA4] =	sst s0  }
0x9: {  	[smem:$0x3FA5] =	sst s1  }
0xa: {  	[smem:$0x3FA6] =	sst s2  }
0xb: {  	[smem:$0x3FA7] =	sst s3  }
0xc: {  	[smem:$0x3FA8] =	sst s4  }
0xd: {  	[smem:$0x3FA9] =	sst s5  }
0xe: {  	[smem:$0x3FAA] =	sst s6  }
0xf: {  	[smem:$0x3FAB] =	sst s7  }
0x10: {  	[smem:$0x3FAC] =	sst s8  }
0x11: {  	[smem:$0x3FAD] =	sst s9;
	s0 =	simm.s32 @!p0 $0x0  }
0x12: {  	s1 =	sld [smem:$0x3F93];
	s0 =	simm.s32 @p0 $0x1  }
0x13: {  	[smem:$0x3FAE] =	sst s0;
	s0 =	simm.s32 @!p1 $0x0  }
0x14: {  	s2 =	sld [smem:$0x3F92];
	s0 =	simm.s32 @p1 $0x1  }
0x15: {  	[smem:$0x3FAF] =	sst s0;
	s0 =	simm.s32 @!p2 $0x0  }
0x16: {  	s3 =	sld [smem:$0x3FDB];
	s0 =	simm.s32 @p2 $0x1  }
0x17: {  	s4 =	simm.s32 $0x1BF5;
	[smem:$0x3FB1] =	sst s0  }
0x18: {  	s0 =	sld [smem:$0x3F94];
	_ =	swait.ge [sflag:s4], $0x0  }
0x19: {  	s7 =	sld [smem:$0x3F95]  }
0x1a: {  	s8 =	sadd.s32 $0xFFFFE003, lr  }
0x1b: {  	s9 =	sadd.s32 $0xFFFFFEF7, lr;
	s5 =	simm.s32 $0xFFFFFFFF;
	p2 =	slt.u32 s8, $0xFFFFF086  }
0x1c: {  	p1 =	slt.u32 s9, $0xF7A;
	s5 =	simm.s32 @!p2 $0x0  }
0x1d: {  	s5 =	simm.s32 @p1 $0x1;
	p0 =	seq.s32 s7, s2  }
0x1e: {  	s7 =	smul.u32 @!p0 $0xF7A, s2;
	p2 =	seq.s32 @!p0 s5, $0x0  }
0x1f: {  	s9 =	smul.u32 $0xF7A, s1;
	s8 =	simm.s32 @!p0 $0x1BF5;
	p2 =	por !p2, p0  }
0x20: {  	[sflag:s8] =	ssyncset.s32 @!p0 $0xFFFFF086;
	s6 =	sadd.s32 @!p0 s3, s7;
	s7 =	simm.s32 @!p0 $0x108  }
0x21: {  	s3 =	sadd.s32 s3, s9;
	s6 =	sadd.s32 @!p0 $0x88, s6;
	s7 =	simm.s32 @p2 $0x1082  }
0x22: {  	[simem:s7], [sflag:s8] =	dma.local @!p0 [hbm:s6], $0xF7A  }
0x23: {  	s9 =	sor.u32 $0xD0000000, s2;
	s6 =	simm.s32 $0x108;
	_ =	swait.ge @!p0 [sflag:s8], $0x0  }
0x24: {  	s3 =	sadd.s32 $0x88, s3;
	s6 =	simm.s32 @!p1 $0x1082;
	[sflag:s4] =	ssyncset.s32 $0xFFFFF086  }
0x25: {  	[simem:s6], [sflag:s4] =	dma.local [hbm:s3], $0xF7A  }
0x26: {  	[smem:$0x3F95] =	sst s1;
	(tag) =	ssettag s2;
	_ =	strace s9  }
0x27: {  	s1 =	sld [smem:$0x3FA5]  }
0x28: {  	s2 =	sld [smem:$0x3FA6]  }
0x29: {  	s4 =	sld [smem:$0x3FA8]  }
0x2a: {  	p0 =	seq.s32 s5, $0x0;
	s5 =	sld [smem:$0x3FA9]  }
0x2b: {  	s6 =	sld [smem:$0x3FAA]  }
0x2c: {  	s7 =	sld [smem:$0x3FAB]  }
0x2d: {  	s3 =	simm.s32 $0x108;
	s8 =	sld [smem:$0x3FAC]  }
0x2e: {  	s3 =	simm.s32 @!p0 $0x1082;
	s9 =	sld [smem:$0x3FAD]  }
0x2f: {  	lr =	sadd.s32 s0, s3;
	s0 =	sld [smem:$0x3FA4]  }
0x30: {  	s3 =	sld [smem:$0x3FA7]  }
0x31: {  	[smem:$0x3FB0] =	sst s10  }
0x32: {  	s10 =	sld [smem:$0x3FAE];
	_ =	sdelay $0x3  }
0x33: {  	p0 =	seq.s32 s10, $0x1;
	s10 =	sld [smem:$0x3FB0];
	_ =	sdelay $0x3  }
0x34: {  	[smem:$0x3FB0] =	sst s10  }
0x35: {  	s10 =	sld [smem:$0x3FAF];
	_ =	sdelay $0x3  }
0x36: {  	p1 =	seq.s32 s10, $0x1;
	s10 =	sld [smem:$0x3FB0];
	_ =	sdelay $0x3  }
0x37: {  	[smem:$0x3FB0] =	sst s10  }
0x38: {  	s10 =	sld [smem:$0x3FB1]  }
0x39: {  	_ = 	snop;
	(pc) =	sbr.ind lr, $3  }
0x3a: {  	_ = 	snop  }
0x3b: {  	_ = 	snop  }
0x3c: {  	p2 =	seq.s32 s10, $0x1;
	s10 =	sld [smem:$0x3FB0]  }
0x3d: {  	_ =	shalt  }
0x3e: {  	_ =	shalt  }
0x3f: {  	_ =	shalt  }
0x40: {  	_ =	shalt  }
0x41: {  	_ =	shalt  }
0x42: {  	_ =	shalt  }
0x43: {  	_ =	shalt  }
0x44: {  	_ =	shalt  }
0x45: {  	_ =	shalt  }
0x46: {  	_ =	shalt  }
0x47: {  	_ =	shalt  }
0x48: {  	_ =	shalt  }
0x49: {  	_ =	shalt  }
0x4a: {  	_ =	shalt  }
0x4b: {  	_ =	shalt  }
0x4c: {  	_ =	shalt  }
0x4d: {  	_ =	shalt  }
0x4e: {  	_ =	shalt  }
0x4f: {  	_ =	shalt  }
0x50: {  	_ =	shalt  }
0x51: {  	_ =	shalt  }
0x52: {  	_ =	shalt  }
0x53: {  	_ =	shalt  }
0x54: {  	_ =	shalt  }
0x55: {  	_ =	shalt  }
0x56: {  	_ =	shalt  }
0x57: {  	_ =	shalt  }
0x58: {  	_ =	shalt  }
0x59: {  	_ =	shalt  }
0x5a: {  	_ =	shalt  }
0x5b: {  	_ =	shalt  }
0x5c: {  	_ =	shalt  }
0x5d: {  	_ =	shalt  }
0x5e: {  	_ =	shalt  }
0x5f: {  	_ =	shalt  }
0x60: {  	_ =	shalt  }
0x61: {  	_ =	shalt  }
0x62: {  	_ =	shalt  }
0x63: {  	_ =	shalt  }
0x64: {  	_ =	shalt  }
0x65: {  	_ =	shalt  }
0x66: {  	_ =	shalt  }
0x67: {  	_ =	shalt  }
0x68: {  	_ =	shalt  }
0x69: {  	_ =	shalt  }
0x6a: {  	_ =	shalt  }
0x6b: {  	_ =	shalt  }
0x6c: {  	_ =	shalt  }
0x6d: {  	_ =	shalt  }
0x6e: {  	_ =	shalt  }
0x6f: {  	_ =	shalt  }
0x70: {  	_ =	shalt  }
0x71: {  	_ =	shalt  }
0x72: {  	_ =	shalt  }
0x73: {  	_ =	shalt  }
0x74: {  	_ =	shalt  }
0x75: {  	_ =	shalt  }
0x76: {  	_ =	shalt  }
0x77: {  	_ =	shalt  }
0x78: {  	_ =	shalt  }
0x79: {  	_ =	shalt  }
0x7a: {  	_ =	shalt  }
0x7b: {  	_ =	shalt  }
0x7c: {  	_ =	shalt  }
0x7d: {  	_ =	shalt  }
0x7e: {  	_ =	shalt  }
0x7f: {  	_ =	shalt  }
0x80: {  	_ =	shalt  }
0x81: {  	_ =	shalt  }
0x82: {  	_ =	shalt  }
0x83: {  	_ =	shalt  }
0x84: {  	_ =	shalt  }
0x85: {  	_ =	shalt  }
0x86: {  	_ =	shalt  }
0x87: {  	_ =	shalt  }
.Lfunc_end0:
.L_simem_size_0:
called_computation_lowered:
.L_overlay_start_0:
0x88: {  	s2 =	sld [smem:$0x3FD9]  }
0x89: {  	s3 =	sld [smem:$0x3FFE];
	_ =	sdelay $0x1  }
0x8a: {  	s1 =	srdreg.scid  }
0x8b: {  	s0 =	sand.u32 $0x1, s1  }
0x8c: {  	s17 =	sshll.u32 s0, $0xA;
	s2 =	sadd.s32 s3, s2  }
0x8d: {  	s2 =	sadd.s32 s2, s17  }
0x8e: {  	[smem:$0x3FBC] =	sst s2  }
0x8f: {  	_ = 	snop  }
0x90: {  	s18 =	sld [smem:$0x3FBF];
	(tm) =	ssettm $0x1  }
0x91: {  	s19 =	sld [smem:$0x3FFB];
	_ =	sdelay $0x3  }
0x92: {  	_ =	strace s19  }
0x93: {  	s2 =	sld [smem:$0x3FFC];
	_ =	sdelay $0x3  }
0x94: {  	_ =	strace s2  }
0x95: {  	s2 =	sld [smem:$0x3FFD];
	_ =	sdelay $0x3  }
0x96: {  	_ =	strace s2  }
0x97: {  	_ =	strace $0x8FFFFFFF  }
0x98: {  	s20 =	sld [smem:$0x3FDB];
	_ =	sdelay $0x1  }
0x99: {  	s4 =	simm.s32 $_scs_section_size  }
0x9a: {  	s5 =	simm.s32 $_size__tile_overlayer_lowered;
	s6 =	simm.s32 $_tile_overlayer_lowered  }
0x9b: {  	s7 =	simm.s32 $0x1BFF;
	s21 =	sshll.u32 s6, $0x1;
	s4 =	sadd.s32 s4, s20  }
0x9c: {  	s22 =	simm.s32 $0x0;
	s5 =	sshll.u32 s5, $0x1;
	s6 =	sadd.s32 s21, s4  }
0x9d: {  	[timem:s22], [sflag:s7] =	dma.local [hbm:s6], s5  }
0x9e: {  	_ =	swait.ge [sflag:s7], s5  }
0x9f: {  	s5 =	ssub.s32 $0x0, s5;
	[sflag:s7] =	ssyncset.done $0x0  }
0xa0: {  	[sflag:s7] =	ssyncadd.s32 s5;
	_ =	sdelay $0x1  }
0xa1: {  	s23 =	simm.s32 $0x1B8B  }
0xa2: {  	_ =	swait.ge [sflag:s23], $0x1  }
0xa3: {  	[sflag:s23] =	ssyncset.done $0x0  }
0xa4: {  	[sflag:s23] =	ssyncadd.s32 $0xFFFFFFFF  }
0xa5: {  	s5 =	sld [smem:$0x0]  }
0xa6: {  	s6 =	sand.u32 $0xFFFFFFFE, s1  }
0xa7: {  	p0 =	sne.s32 s1, s6  }
0xa8: {  	s6 =	sshll.u32 @p0 s6, $0xE  }
0xa9: {  	s6 =	sadd.s32 @p0 $0x11B8D, s6;
	s7 =	sshll.u32 @p0 s5, $0x11  }
0xaa: {  	s6 =	sor.u32 @p0 s7, s6  }
0xab: {  	[sflag:s6] =	ssyncadd.remote.s32 @p0 $0x1;
	_ =	sdelay $0x1  }
0xac: {  	s6 =	simm.s32 @p0 $0x1B8D  }
0xad: {  	_ =	swait.eq @p0 [sflag:s6], $0x1  }
0xae: {  	[sflag:s6] =	ssyncadd.s32 @p0 $0xFFFFFFFF  }
0xaf: {  	s7 =	sshll.u32 @!p0 s1, $0xE  }
0xb0: {  	s7 =	sor.u32 @!p0 $0x4000, s7;
	s6 =	simm.s32 @!p0 $0x1B8D  }
0xb1: {  	s5 =	sshll.u32 @!p0 s5, $0x11;
	s7 =	sadd.s32 @!p0 $0x11B8D, s7;
	_ =	swait.eq @!p0 [sflag:s6], $0x1  }
0xb2: {  	s5 =	sor.u32 @!p0 s5, s7;
	[sflag:s6] =	ssyncadd.s32 @!p0 $0xFFFFFFFF  }
0xb3: {  	s25 =	simm.s32 $0x1B8E;
	s24 =	sld [smem:$0x3FFE];
	[sflag:s5] =	ssyncadd.remote.s32 @!p0 $0x1  }
0xb4: {  	s26 =	simm.s32 $execute0_lowered;
	[smem:$0x3FD2] =	sst s25  }
0xb5: {  	s6 =	sshll.u32 s26, $0x1;
	_ =	strace $0x80000049;
	[dreg:$0x1] =	wrdreg $0xFFFFFFFF  }
0xb6: {  	s28 =	simm.s32 $_size_execute0_lowered;
	s4 =	sadd.s32 s4, s6;
	[dreg:$0x0] =	wrdreg $0x0  }
0xb7: {  	s6 =	sshll.u32 s28, $0x1;
	[dreg:$0x2] =	wrdreg s4  }
0xb8: {  	[dreg:$0x3] =	wrdreg s6  }
0xb9: {  	[dreg:$0x4] =	wrdreg $0xC0  }
0xba: {  	_ =	task [dreg:s22], $0x5FFFF  }
0xbb: {  	[dreg:$0x1] =	wrdreg $0xFFFFFFFF  }
0xbc: {  	[dreg:$0x0] =	wrdreg $0x60  }
0xbd: {  	[dreg:$0x2] =	wrdreg s18  }
0xbe: {  	[dreg:$0x3] =	wrdreg s24  }
0xbf: {  	[dreg:$0x4] =	wrdreg $0x9  }
0xc0: {  	_ =	task.clear_ibuf [dreg:s22], $0x5FFFF;
	_ =	strace $0x90000049  }
0xc1: {  	s29 =	simm.s32 $0x9;
	_ =	strace $0x8000004B  }
0xc2: {  	_ =	swait.ge [sflag:s29], $0x1  }
0xc3: {  	[sflag:s29] =	ssyncadd.s32 $0xFFFFFFFF  }
0xc4: {  	_ =	strace $0x9000004B  }
0xc5: {  	_ =	sfence  }
0xc6: {  	s30 =	sld [smem:$0x0];
	_ =	sdelay $0x2  }
0xc7: {  	s31 =	sshll.u32 s1, $0xD;
	s1 =	sshrl.u32 s1, $0x2  }
0xc8: {  	s4 =	sand.u32 $0x4000, s31;
	s1 =	sadd.s32 s1, s30  }
0xc9: {  	s0 =	sor.u32 s4, s0;
	s1 =	sshll.u32 s1, $0x11  }
0xca: {  	s0 =	sor.u32 s1, s0  }
0xcb: {  	s0 =	sadd.s32 $0x8F2B, s0  }
0xcc: {  	[sflag:s0] =	ssyncadd.remote.s32 $0x1  }
0xcd: {  	_ =	sfence.sel $0xFFFF  }
0xce: {  	[dreg:$0x0] =	wrdreg $0xFFFFFFFF;
	(pc) =	sbr.abs _section_cstart, $3  }
0xcf: {  	[dreg:$0x1] =	wrdreg $0xFFFFFFFF  }
0xd0: {  	_ =	task.clear_ibuf [dreg:s22], $0x2FFFF;
	_ =	strace $0x9FFFFFFF  }
0xd1: {  	(tm) =	ssettm $0x7FFFFFFF  }
tec
execute0_lowered:
.L_overlay_start_1:
0x0: {  	(tag) =	ssettag $0x1  }
0x1: {  	s3 =	rddreg [dreg:$0x0]  }
0x2: {  	s10 =	rddreg [dreg:$0x1];
	s1 =	srdreg.scid  }
0x3: {  	s0 =	rddreg [dreg:$0x2];
	s15 =	sand.u32 $0x1, s1  }
0x4: {  	s2 =	simm.s32 $0x0;
	s1 =	stileid.u32;
	s4 =	sshll.u32 s15, $0x6  }
0x5: {  	[smem:$0x7FF] =	sst s2;
	s5 =	sshll.u32 s1, $0x7;
	s3 =	sadd.s32 s3, s4  }
0x6: {  	_ =	strace $0x8000004A;
	s4 =	sadd.s32 s5, s3;
	s3 =	simm.s32 $0x2  }
0x7: {  	[tilespmem:s2], [sflag:$0x2] =	stream.linear.gather [hbm4b:s4+s2], $0x200, $0x38;
	[tilespmem:$0x8200] =	vst v63  }
0x8: {  	_ =	swait.ge [sflag:s3], $0x200  }
0x9: {  	s6 =	simm.s32 $0x80;
	s7 =	simm.s32 $0x200;
	[sflag:s3] =	ssyncset.done $0x0  }
0xa: {  	s8 =	simm.s32 $0x4200;
	s5 =	sadd.s32 $0x1C9200, s10;
	[sflag:s3] =	ssyncadd.s32 $0xFFFFFE00  }
0xb: {  	[tilespmem:s7], [sflag:$0x1] =	stream.indirect.gather [hbm4b:s5+s6], $0x80, s2, s6, $0xb8;
	[tilespmem:$0x8200] =	vst v63  }
0xc: {  	s9 =	simm.s32 $0x1;
	s11 =	sshll.u32 s1, $0xE;
	s12 =	sshll.u32 s15, $0xD  }
0xd: {  	[tilespmem:s8], [sflag:$0x1] =	stream.indirect.gather [hbm4b:s5+s6], $0x80, s6, s6, $0xb8;
	[tilespmem:$0x8200] =	vst v63  }
0xe: {  	s11 =	sor.u32 s12, s11;
	_ =	swait.ge [sflag:s9], $0x4000  }
0xf: {  	s16 =	sadd.s32 s11, s10;
	[sflag:s9] =	ssyncset.done $0x0  }
0x10: {  	s10 =	sadd.s32 $0x34FC00, s16;
	[sflag:s9] =	ssyncadd.s32 $0xFFFFC000  }
0x11: {  	[hbm4b:s10+s2] =	stream.linear.scatter [tilespmem:s7], [sflag:$0x2], $0x4000, $0x38;
	[tilespmem:$0x8200] =	vst v63  }
0x12: {  	_ =	swait.ge [sflag:s3], $0x4000  }
0x13: {  	[sflag:s3] =	ssyncset.done $0x0  }
0x14: {  	s11 =	simm.s32 $0x100;
	[sflag:s3] =	ssyncadd.s32 $0xFFFFC000  }
0x15: {  	[tilespmem:s7], [sflag:$0x1] =	stream.indirect.gather [hbm4b:s5+s6], $0x80, s11, s6, $0xb8;
	[tilespmem:$0x8200] =	vst v63  }
0x16: {  	_ =	swait.ge [sflag:s9], $0x4000  }
0x17: {  	[sflag:s9] =	ssyncset.done $0x0  }
0x18: {  	s12 =	sadd.s32 $0x350400, s16;
	[sflag:s9] =	ssyncadd.s32 $0xFFFFC000  }
0x19: {  	[hbm4b:s12+s2] =	stream.linear.scatter [tilespmem:s8], [sflag:$0x2], $0x4000, $0x38;
	[tilespmem:$0x8200] =	vst v63  }
0x1a: {  	_ =	swait.ge [sflag:s3], $0x4000  }
0x1b: {  	[sflag:s3] =	ssyncset.done $0x0  }
0x1c: {  	s13 =	simm.s32 $0x180;
	[sflag:s3] =	ssyncadd.s32 $0xFFFFC000  }
0x1d: {  	[tilespmem:s8], [sflag:$0x1] =	stream.indirect.gather [hbm4b:s5+s6], $0x80, s13, s6, $0xb8;
	[tilespmem:$0x8200] =	vst v63  }
0x1e: {  	_ =	swait.ge [sflag:s9], $0x4000  }
0x1f: {  	[sflag:s9] =	ssyncset.done $0x0  }
0x20: {  	s15 =	ssub.s32 $0x2, s15;
	s14 =	sadd.s32 $0x350C00, s16;
	[sflag:s9] =	ssyncadd.s32 $0xFFFFC000  }
0x21: {  	[hbm4b:s14+s2] =	stream.linear.scatter [tilespmem:s7], [sflag:$0x2], $0x4000, $0x38;
	[tilespmem:$0x8200] =	vst v63  }
0x22: {  	s17 =	sshrl.u32 s15, $0x1;
	_ =	swait.ge [sflag:s3], $0x4000  }
0x23: {  	s17 =	ssub.s32 s15, s17;
	[sflag:s3] =	ssyncset.done $0x0  }
0x24: {  	s31 =	smax.u32 s17, $0x1;
	[sflag:s3] =	ssyncadd.s32 $0xFFFFC000  }
0x25: {  	p0 =	sne.s32 s31, $0x1;
	_ =	swait.ge [sflag:s9], $0x4000  }
.Ltmp0:
0x26: {  	[sflag:s9] =	ssyncset.done $0x0;
	(pc) =	sbr.rel @!p0 .LBB2_2-.Ltmp0, $4  }
0x27: {  	s15 =	sadd.s32 $0x351400, s16;
	[sflag:s9] =	ssyncadd.s32 $0xFFFFC000  }
0x28: {  	[hbm4b:s15+s2] =	stream.linear.scatter [tilespmem:s8], [sflag:$0x2], $0x4000, $0x38;
	[tilespmem:$0x8200] =	vst v63  }
0x29: {  	_ =	swait.ge [sflag:s3], $0x4000  }
0x2a: {  	s16 =	sadd.s32 $0xFFFFFFFF, s31;
	[sflag:s3] =	ssyncset.done $0x0  }
.LBB2_1:
0x2b: {  	p0 =	sne.s32 s16, $0x1;
	s16 =	sadd.s32 $0xFFFFFFFF, s16;
	[sflag:s3] =	ssyncadd.s32 $0xFFFFC000  }
0x2c: {  	[tilespmem:s2], [sflag:$0x2] =	stream.linear.gather [hbm4b:s4+s2], $0x200, $0x38;
	[tilespmem:$0x8200] =	vst v63  }
0x2d: {  	_ =	swait.ge [sflag:s3], $0x200  }
0x2e: {  	[sflag:s3] =	ssyncset.done $0x0  }
0x2f: {  	[sflag:s3] =	ssyncadd.s32 $0xFFFFFE00  }
0x30: {  	[tilespmem:s7], [sflag:$0x1] =	stream.indirect.gather [hbm4b:s5+s6], $0x80, s2, s6, $0xb8;
	[tilespmem:$0x8200] =	vst v63  }
0x31: {  	_ = 	snop  }
0x32: {  	[tilespmem:s8], [sflag:$0x1] =	stream.indirect.gather [hbm4b:s5+s6], $0x80, s6, s6, $0xb8;
	[tilespmem:$0x8200] =	vst v63  }
0x33: {  	_ =	swait.ge [sflag:s9], $0x4000  }
0x34: {  	[sflag:s9] =	ssyncset.done $0x0  }
0x35: {  	[sflag:s9] =	ssyncadd.s32 $0xFFFFC000  }
0x36: {  	[hbm4b:s10+s2] =	stream.linear.scatter [tilespmem:s7], [sflag:$0x2], $0x4000, $0x38;
	[tilespmem:$0x8200] =	vst v63  }
0x37: {  	_ =	swait.ge [sflag:s3], $0x4000  }
0x38: {  	[sflag:s3] =	ssyncset.done $0x0  }
0x39: {  	[sflag:s3] =	ssyncadd.s32 $0xFFFFC000  }
0x3a: {  	[tilespmem:s7], [sflag:$0x1] =	stream.indirect.gather [hbm4b:s5+s6], $0x80, s11, s6, $0xb8;
	[tilespmem:$0x8200] =	vst v63  }
0x3b: {  	_ =	swait.ge [sflag:s9], $0x4000  }
0x3c: {  	[sflag:s9] =	ssyncset.done $0x0  }
0x3d: {  	[sflag:s9] =	ssyncadd.s32 $0xFFFFC000  }
0x3e: {  	[hbm4b:s12+s2] =	stream.linear.scatter [tilespmem:s8], [sflag:$0x2], $0x4000, $0x38;
	[tilespmem:$0x8200] =	vst v63  }
0x3f: {  	_ =	swait.ge [sflag:s3], $0x4000  }
0x40: {  	[sflag:s3] =	ssyncset.done $0x0  }
0x41: {  	[sflag:s3] =	ssyncadd.s32 $0xFFFFC000  }
0x42: {  	[tilespmem:s8], [sflag:$0x1] =	stream.indirect.gather [hbm4b:s5+s6], $0x80, s13, s6, $0xb8;
	[tilespmem:$0x8200] =	vst v63  }
0x43: {  	_ =	swait.ge [sflag:s9], $0x4000  }
0x44: {  	[sflag:s9] =	ssyncset.done $0x0  }
0x45: {  	[sflag:s9] =	ssyncadd.s32 $0xFFFFC000  }
0x46: {  	[hbm4b:s14+s2] =	stream.linear.scatter [tilespmem:s7], [sflag:$0x2], $0x4000, $0x38;
	[tilespmem:$0x8200] =	vst v63  }
0x47: {  	_ =	swait.ge [sflag:s3], $0x4000  }
0x48: {  	[sflag:s3] =	ssyncset.done $0x0  }
0x49: {  	[sflag:s3] =	ssyncadd.s32 $0xFFFFC000  }
0x4a: {  	_ =	swait.ge [sflag:s9], $0x4000  }
.Ltmp1:
0x4b: {  	[sflag:s9] =	ssyncset.done $0x0;
	(pc) =	sbr.rel @p0 .LBB2_1-.Ltmp1, $4  }
0x4c: {  	[sflag:s9] =	ssyncadd.s32 $0xFFFFC000  }
0x4d: {  	[hbm4b:s15+s2] =	stream.linear.scatter [tilespmem:s8], [sflag:$0x2], $0x4000, $0x38;
	[tilespmem:$0x8200] =	vst v63  }
0x4e: {  	_ =	swait.ge [sflag:s3], $0x4000  }
0x4f: {  	[sflag:s3] =	ssyncset.done $0x0  }
.LBB2_2:
0x50: {  	[sflag:s3] =	ssyncadd.s32 $0xFFFFC000  }
0x51: {  	_ =	sfence.sel $0x180000  }
0x52: {  	[bflag:$0x0] =	sbarrier.arrive $0xFFFF  }
0x53: {  	p0 =	sne.s32 s1, $0x0;
	_ =	strace $0x9000004A  }
0x54: {  	s0 =	sadd.s32 @!p0 $0x100000, s0;
	[bflag:$0x2] =	sbarrier.arrive $0xFFFF  }
0x55: {  	[sflag:s0] =	ssyncadd.tile.s32 @!p0 $0x1;
	_ =	shalt  }
.Lfunc_end2:
_tile_overlayer_lowered:
.L_overlay_start_2:
0x56: {  	(tag) =	ssettag $0x2  }
0x57: {  	s0 =	rddreg [dreg:$0x0];
	s2 =	stileid.u32  }
0x58: {  	s1 =	rddreg [dreg:$0x1];
	p0 =	sne.s32 s2, $0x0  }
0x59: {  	s3 =	rddreg [dreg:$0x2];
	[bflag:$0x3] =	sbarrier.arrive $0xFFFF;
	s2 =	simm.s32 @!p0 $0x1C02  }
0x5a: {  	[timem:s3], [sflag:s2] =	dma.local @!p0 [hbm:s0], s1  }
0x5b: {  	s0 =	simm.s32 @!p0 $0x2  }
0x5c: {  	_ =	swait.ge @!p0 [sflag:s0], s1  }
0x5d: {  	s1 =	ssub.s32 @!p0 $0x0, s1;
	[sflag:s0] =	ssyncset.done @!p0 $0x0  }
0x5e: {  	[sflag:s0] =	ssyncadd.s32 @!p0 s1  }
0x5f: {  	[bflag:$0x3] =	sbarrier.arrive $0xFFFF  }
0x60: {  	_ =	shalt  }

</sc_bundles>
